<compile_context>
chip_gen: v7x
topology: tpu7x:2x2x1
jax: 0.10.2.dev20260603
libtpu: 0.0.44.dev20260713+nightly
codegen_flags: <defaults>
</compile_context>

<pallas_src>
import functools

import jax
import jax.numpy as jnp
from jax import lax
from jax.experimental import pallas as pl
from jax.experimental.pallas import tpu as pltpu
from jax.experimental.pallas import tpu_sc as plsc

_K = 10
_GAMMA = 1.0
_R = 512
_C = 512
_CSUB = 512
_PADV = 3.0e5



def _sc_gather_pair(table1, table2, idx1, idx2):
    B = idx1.shape[0]
    D = table1.shape[1]
    info = plsc.get_sparse_core_info()
    nw = info.num_cores * info.num_subcores
    b_per_w = B // nw
    mesh = plsc.VectorSubcoreMesh(core_axis_name="c", subcore_axis_name="s")

    @functools.partial(
        pl.kernel,
        mesh=mesh,
        out_type=[
            jax.ShapeDtypeStruct((B, D), jnp.float32),
            jax.ShapeDtypeStruct((B, D), jnp.float32),
        ],
        scratch_types=[
            pltpu.VMEM((b_per_w,), jnp.int32),
            pltpu.VMEM((b_per_w, D), jnp.float32),
            pltpu.SemaphoreType.DMA,
        ],
    )
    def gather_k(t1_hbm, t2_hbm, i1_hbm, i2_hbm, o1_hbm, o2_hbm, idx_v, rows_v, sem):
        wid = lax.axis_index("s") * info.num_cores + lax.axis_index("c")
        base = wid * b_per_w
        pltpu.sync_copy(i1_hbm.at[pl.ds(base, b_per_w)], idx_v)
        pltpu.async_copy(t1_hbm.at[idx_v], rows_v, sem).wait()
        pltpu.sync_copy(rows_v, o1_hbm.at[pl.ds(base, b_per_w)])
        pltpu.sync_copy(i2_hbm.at[pl.ds(base, b_per_w)], idx_v)
        pltpu.async_copy(t2_hbm.at[idx_v], rows_v, sem).wait()
        pltpu.sync_copy(rows_v, o2_hbm.at[pl.ds(base, b_per_w)])

    return gather_k(table1, table2, idx1, idx2)



def _loss_body(anch_ref, tgt_ref, a1_ref, a2_ref, out_ref, cand_ref, *, ncb, nplanes):
    j = pl.program_id(1)

    D = anch_ref.shape[1]
    a = anch_ref[...]
    sa = jnp.sum(a, axis=1, keepdims=True)
    lane_c = lax.broadcasted_iota(jnp.int32, (_R, _CSUB), 1).astype(jnp.float32)
    lane128 = lax.broadcasted_iota(jnp.int32, (_R, 128), 1)
    nch = _C // _CSUB
    big = jnp.float32(3.0e38)

    @pl.when(j == 0)
    def _init():
        for p in range(nplanes):
            cand_ref[p] = jnp.full((_R, 128), big, jnp.float32)

    bidx = j * nch
    pidx = (j * nch) // 8
    for ci in range(nch):
        c0 = ci * _CSUB
        bT = tgt_ref[0, :, c0:c0 + _CSUB]
        sb = jnp.sum(bT, axis=0, keepdims=True)
        lane_base = ((bidx + ci) % 8) * 16
        macc = jnp.zeros((_R, _CSUB), jnp.float32)
        for d in range(D):
            macc = macc + jnp.minimum(a[:, d:d + 1], bT[d:d + 1, :])
        fkey = jnp.floor((sa + sb - 2.0 * macc) * 16.0) * float(_CSUB) + lane_c

        plane = cand_ref[pidx]
        for k in range(_K):
            mk = jnp.min(fkey, axis=1, keepdims=True)
            fkey = jnp.where(fkey == mk, big, fkey)
            plane = jnp.where(lane128 == lane_base + k, mk, plane)
        cand_ref[pidx] = plane

    @pl.when(j == ncb - 1)
    def _final():
        a1 = a1_ref[...]
        a2 = a2_ref[...]
        dm = jnp.sum(jnp.abs(a1 - a2), axis=1, keepdims=True) + _GAMMA
        k2 = jnp.concatenate([cand_ref[t] for t in range(nplanes)], axis=1)
        terms = jnp.zeros((_R, 1), jnp.float32)
        for _ in range(_K):
            mk = jnp.min(k2, axis=1, keepdims=True)
            k2 = jnp.where(k2 == mk, big, k2)
            v = jnp.floor(mk * (1.0 / _CSUB)) * (1.0 / 16.0) + (1.0 / 32.0)
            terms = terms + jnp.maximum(dm - v, 0.0)
        contrib = jnp.sum(terms, keepdims=True)
        z = jnp.zeros((8, 128), jnp.float32)
        r8 = lax.broadcasted_iota(jnp.int32, (8, 128), 0)
        l8 = lax.broadcasted_iota(jnp.int32, (8, 128), 1)
        out_ref[...] = jnp.where((r8 == 0) & (l8 == 0), contrib, z)


def _tc_loss(a1v, a2v, out1, out2):
    T, D = a1v.shape
    N = out1.shape[0]
    npad = ((N + _C - 1) // _C) * _C
    pad = jnp.full((npad - N, D), _PADV, jnp.float32)
    t1 = jnp.concatenate([out2, pad], 0).T
    t2 = jnp.concatenate([out1, pad], 0).T
    tgt = jnp.stack([t1, t2])
    anchors = jnp.concatenate([a1v, a2v], axis=0)
    per_side = T // _R
    ncb = npad // _C
    nplanes = (ncb * (_C // _CSUB) * 16 + 127) // 128
    grid = (2 * T // _R, ncb)
    total = pl.pallas_call(
        functools.partial(_loss_body, ncb=ncb, nplanes=nplanes),
        grid=grid,
        in_specs=[
            pl.BlockSpec((_R, D), lambda i, j: (i, 0)),
            pl.BlockSpec((1, D, _C), lambda i, j: (i // per_side, 0, j)),
            pl.BlockSpec((_R, D), lambda i, j: (i % per_side, 0)),
            pl.BlockSpec((_R, D), lambda i, j: (i % per_side, 0)),
        ],
        out_specs=pl.BlockSpec((8, 128), lambda i, j: (i, 0)),
        out_shape=jax.ShapeDtypeStruct((grid[0] * 8, 128), jnp.float32),
        scratch_shapes=[pltpu.VMEM((nplanes, _R, 128), jnp.float32)],
    )(anchors, tgt, a1v, a2v)
    return jnp.sum(total) / (T * _K)


def kernel(out1, out2, anchor1_org, anchor2_org):
    a1v, a2v = _sc_gather_pair(out1, out2, anchor1_org, anchor2_org)
    return _tc_loss(a1v, a2v, out1, out2)

# --- scband reference (transcript-rebuilt; emitter-appended) ---
"""Pipeline reference for scband-ranking-loss-l1-53326313947168 (READ-ONLY COPY).

The authoritative reference and input builder live on the scoring server;
editing this copy changes nothing except your own understanding.
"""

import jax, jax.numpy as jnp
import numpy as np

K = 10
GAMMA = 1.0
N = 10000
D = 128
T = 1024


def setup_inputs(seed: int = 0):
    key = jax.random.key(seed)
    k1, k2, k3, k4 = jax.random.split(key, 4)
    out1 = jax.random.normal(k1, (N, D), dtype=jnp.float32)
    out2 = jax.random.normal(k2, (N, D), dtype=jnp.float32)
    anchor1_org = jax.random.randint(k3, (T,), 0, N, dtype=jnp.int32)
    anchor2_org = jax.random.randint(k4, (T,), 0, N, dtype=jnp.int32)
    return {"out1": out1, "out2": out2, "anchor1_org": anchor1_org, "anchor2_org": anchor2_org}


def _cdist_l1(A, B, chunk=32):
    # chunked cityblock cdist to bound peak memory: [t, n]
    t, d = A.shape
    A_ = A.reshape(t // chunk, chunk, d)
    f = lambda a: jnp.sum(jnp.abs(a[:, None, :] - B[None, :, :]), axis=-1)
    return jax.lax.map(f, A_).reshape(t, B.shape[0])


def reference(out1, out2, anchor1_org, anchor2_org):
    anchor1_vec0 = out1[anchor1_org]
    anchor2_vec0 = out2[anchor2_org]
    # hard-negative mining (mirrors numpy/scipy detached path)
    sim1 = _cdist_l1(anchor1_vec0, out2)
    neg1 = jnp.argsort(sim1, axis=1)[:, :K].reshape(-1)
    sim2 = _cdist_l1(anchor2_vec0, out1)
    neg2 = jnp.argsort(sim2, axis=1)[:, :K].reshape(-1)
    anchor1 = jnp.repeat(anchor1_org, K)
    anchor2 = jnp.repeat(anchor2_org, K)
    anchor1_vec = jnp.take(out1, anchor1, axis=0)
    anchor2_vec = jnp.take(out2, anchor2, axis=0)
    neg1_vec = jnp.take(out2, neg1, axis=0)
    neg2_vec = jnp.take(out1, neg2, axis=0)
    A = jnp.sum(jnp.abs(anchor1_vec - anchor2_vec), axis=1)
    Dm = A + GAMMA
    B1 = -jnp.sum(jnp.abs(anchor1_vec - neg1_vec), axis=1)
    L1 = jnp.sum(jax.nn.relu(B1 + Dm))
    B2 = -jnp.sum(jnp.abs(anchor2_vec - neg2_vec), axis=1)
    L2 = jnp.sum(jax.nn.relu(B2 + Dm))
    return (L1 + L2) / anchor1.shape[0]

if __name__ == "__main__":
    import jax
    _d = setup_inputs()
    print(jax.jit(kernel)(*tuple(_d.values())))

</pallas_src>

<mosaic_0001>
#map = affine_map<(d0, d1) -> (0, 0)>
#map1 = affine_map<(d0, d1) -> (0)>
module attributes {stable_mosaic.version = 14 : i64} {
  func.func @gather_k(%arg0: i32, %arg1: i32, %arg2: memref<10000x128xf32, #tpu.memory_space<hbm>>, %arg3: memref<10000x128xf32, #tpu.memory_space<hbm>>, %arg4: memref<1024xi32, #tpu.memory_space<hbm>>, %arg5: memref<1024xi32, #tpu.memory_space<hbm>>, %arg6: memref<1024x128xf32, #tpu.memory_space<hbm>>, %arg7: memref<1024x128xf32, #tpu.memory_space<hbm>>, %arg8: memref<32xi32, #tpu.memory_space<vmem>>, %arg9: memref<32x128xf32, #tpu.memory_space<vmem>>, %arg10: memref<!tpu.dma_semaphore, #tpu.memory_space<semaphore_mem>>) attributes {dimension_semantics = [#tpu.dimension_semantics<core_parallel>, #tpu.dimension_semantics<subcore_parallel>], iteration_bounds = array<i64: 2, 16>, scalar_prefetch = 0 : i64, scratch_operands = 3 : i64, tpu.core_type = #tpu.core_type<sc_vector_subcore>, window_params = [{transform_indices = #map}, {transform_indices = #map}, {transform_indices = #map1}, {transform_indices = #map1}, {transform_indices = #map}, {transform_indices = #map}]} {
    %mul3A = arith.constant 2 : i32
    %mul3A_0 = arith.muli %arg1, %mul3A : i32
    %add3A = arith.addi %mul3A_0, %arg0 : i32
    %mul3A_1 = arith.constant 32 : i32
    %mul3A_2 = arith.muli %add3A, %mul3A_1 : i32
    "tpu.region"() ({
      %run_scoped3A = tpu.sem_alloc : memref<!tpu.dma_semaphore, #tpu.memory_space<semaphore_mem>>
      %dma_start3A_13 = tpu.memref_slice %arg4[%mul3A_2] : memref<1024xi32, #tpu.memory_space<hbm>> -> memref<32xi32, #tpu.memory_space<hbm>>
      %dma_start3A_14 = tpu.memref_slice %arg4[%mul3A_2] : memref<1024xi32, #tpu.memory_space<hbm>> -> memref<32xi32, #tpu.memory_space<hbm>>
      tpu.enqueue_dma source(%dma_start3A_14 : memref<32xi32, #tpu.memory_space<hbm>>) target(%arg8 : memref<32xi32, #tpu.memory_space<vmem>>) target_semaphore(%run_scoped3A : memref<!tpu.dma_semaphore, #tpu.memory_space<semaphore_mem>>)
      %dma_wait3A_15 = tpu.memref_slice %arg4[%mul3A_2] : memref<1024xi32, #tpu.memory_space<hbm>> -> memref<32xi32, #tpu.memory_space<hbm>>
      %dma_wait3A_16 = tpu.memref_slice %arg4[%mul3A_2] : memref<1024xi32, #tpu.memory_space<hbm>> -> memref<32xi32, #tpu.memory_space<hbm>>
      tpu.wait_dma2 semaphore(%run_scoped3A : memref<!tpu.dma_semaphore, #tpu.memory_space<semaphore_mem>>) src(%dma_wait3A_16 : memref<32xi32, #tpu.memory_space<hbm>>) dst(%arg8 : memref<32xi32, #tpu.memory_space<vmem>>)
      tpu.yield
    }) : () -> ()
    %dma_start3A = arith.constant 0 : i32
    %dma_start3A_3 = arith.constant 0 : i32
    %dma_start3A_4 = tpu.memref_slice %arg2[%dma_start3A, %dma_start3A_3] : memref<10000x128xf32, #tpu.memory_space<hbm>> -> memref<10000x128xf32, #tpu.memory_space<hbm>>
    tpu.enqueue_indirect_dma source(%dma_start3A_4 : memref<10000x128xf32, #tpu.memory_space<hbm>>) target(%arg9 : memref<32x128xf32, #tpu.memory_space<vmem>>) offsets(%arg8 : memref<32xi32, #tpu.memory_space<vmem>>) semaphore(%arg10 : memref<!tpu.dma_semaphore, #tpu.memory_space<semaphore_mem>>)
    %dma_wait3A = arith.constant 0 : i32
    %dma_wait3A_5 = arith.constant 0 : i32
    %dma_wait3A_6 = tpu.memref_slice %arg2[%dma_wait3A, %dma_wait3A_5] : memref<10000x128xf32, #tpu.memory_space<hbm>> -> memref<10000x128xf32, #tpu.memory_space<hbm>>
    tpu.wait_indirect_dma semaphore(%arg10 : memref<!tpu.dma_semaphore, #tpu.memory_space<semaphore_mem>>) src(%dma_wait3A_6 : memref<10000x128xf32, #tpu.memory_space<hbm>>) dst(%arg9 : memref<32x128xf32, #tpu.memory_space<vmem>>)
    "tpu.region"() ({
      %run_scoped3A = tpu.sem_alloc : memref<!tpu.dma_semaphore, #tpu.memory_space<semaphore_mem>>
      %dma_start3A_13 = arith.constant 0 : i32
      %dma_start3A_14 = tpu.memref_slice %arg6[%mul3A_2, %dma_start3A_13] : memref<1024x128xf32, #tpu.memory_space<hbm>> -> memref<32x128xf32, #tpu.memory_space<hbm>>
      %dma_start3A_15 = arith.constant 0 : i32
      %dma_start3A_16 = tpu.memref_slice %arg6[%mul3A_2, %dma_start3A_15] : memref<1024x128xf32, #tpu.memory_space<hbm>> -> memref<32x128xf32, #tpu.memory_space<hbm>>
      tpu.enqueue_dma source(%arg9 : memref<32x128xf32, #tpu.memory_space<vmem>>) target(%dma_start3A_16 : memref<32x128xf32, #tpu.memory_space<hbm>>) target_semaphore(%run_scoped3A : memref<!tpu.dma_semaphore, #tpu.memory_space<semaphore_mem>>)
      %dma_wait3A_17 = arith.constant 0 : i32
      %dma_wait3A_18 = tpu.memref_slice %arg6[%mul3A_2, %dma_wait3A_17] : memref<1024x128xf32, #tpu.memory_space<hbm>> -> memref<32x128xf32, #tpu.memory_space<hbm>>
      %dma_wait3A_19 = arith.constant 0 : i32
      %dma_wait3A_20 = tpu.memref_slice %arg6[%mul3A_2, %dma_wait3A_19] : memref<1024x128xf32, #tpu.memory_space<hbm>> -> memref<32x128xf32, #tpu.memory_space<hbm>>
      tpu.wait_dma2 semaphore(%run_scoped3A : memref<!tpu.dma_semaphore, #tpu.memory_space<semaphore_mem>>) src(%arg9 : memref<32x128xf32, #tpu.memory_space<vmem>>) dst(%dma_wait3A_20 : memref<32x128xf32, #tpu.memory_space<hbm>>)
      tpu.yield
    }) : () -> ()
    "tpu.region"() ({
      %run_scoped3A = tpu.sem_alloc : memref<!tpu.dma_semaphore, #tpu.memory_space<semaphore_mem>>
      %dma_start3A_13 = tpu.memref_slice %arg5[%mul3A_2] : memref<1024xi32, #tpu.memory_space<hbm>> -> memref<32xi32, #tpu.memory_space<hbm>>
      %dma_start3A_14 = tpu.memref_slice %arg5[%mul3A_2] : memref<1024xi32, #tpu.memory_space<hbm>> -> memref<32xi32, #tpu.memory_space<hbm>>
      tpu.enqueue_dma source(%dma_start3A_14 : memref<32xi32, #tpu.memory_space<hbm>>) target(%arg8 : memref<32xi32, #tpu.memory_space<vmem>>) target_semaphore(%run_scoped3A : memref<!tpu.dma_semaphore, #tpu.memory_space<semaphore_mem>>)
      %dma_wait3A_15 = tpu.memref_slice %arg5[%mul3A_2] : memref<1024xi32, #tpu.memory_space<hbm>> -> memref<32xi32, #tpu.memory_space<hbm>>
      %dma_wait3A_16 = tpu.memref_slice %arg5[%mul3A_2] : memref<1024xi32, #tpu.memory_space<hbm>> -> memref<32xi32, #tpu.memory_space<hbm>>
      tpu.wait_dma2 semaphore(%run_scoped3A : memref<!tpu.dma_semaphore, #tpu.memory_space<semaphore_mem>>) src(%dma_wait3A_16 : memref<32xi32, #tpu.memory_space<hbm>>) dst(%arg8 : memref<32xi32, #tpu.memory_space<vmem>>)
      tpu.yield
    }) : () -> ()
    %dma_start3A_7 = arith.constant 0 : i32
    %dma_start3A_8 = arith.constant 0 : i32
    %dma_start3A_9 = tpu.memref_slice %arg3[%dma_start3A_7, %dma_start3A_8] : memref<10000x128xf32, #tpu.memory_space<hbm>> -> memref<10000x128xf32, #tpu.memory_space<hbm>>
    tpu.enqueue_indirect_dma source(%dma_start3A_9 : memref<10000x128xf32, #tpu.memory_space<hbm>>) target(%arg9 : memref<32x128xf32, #tpu.memory_space<vmem>>) offsets(%arg8 : memref<32xi32, #tpu.memory_space<vmem>>) semaphore(%arg10 : memref<!tpu.dma_semaphore, #tpu.memory_space<semaphore_mem>>)
    %dma_wait3A_10 = arith.constant 0 : i32
    %dma_wait3A_11 = arith.constant 0 : i32
    %dma_wait3A_12 = tpu.memref_slice %arg3[%dma_wait3A_10, %dma_wait3A_11] : memref<10000x128xf32, #tpu.memory_space<hbm>> -> memref<10000x128xf32, #tpu.memory_space<hbm>>
    tpu.wait_indirect_dma semaphore(%arg10 : memref<!tpu.dma_semaphore, #tpu.memory_space<semaphore_mem>>) src(%dma_wait3A_12 : memref<10000x128xf32, #tpu.memory_space<hbm>>) dst(%arg9 : memref<32x128xf32, #tpu.memory_space<vmem>>)
    "tpu.region"() ({
      %run_scoped3A = tpu.sem_alloc : memref<!tpu.dma_semaphore, #tpu.memory_space<semaphore_mem>>
      %dma_start3A_13 = arith.constant 0 : i32
      %dma_start3A_14 = tpu.memref_slice %arg7[%mul3A_2, %dma_start3A_13] : memref<1024x128xf32, #tpu.memory_space<hbm>> -> memref<32x128xf32, #tpu.memory_space<hbm>>
      %dma_start3A_15 = arith.constant 0 : i32
      %dma_start3A_16 = tpu.memref_slice %arg7[%mul3A_2, %dma_start3A_15] : memref<1024x128xf32, #tpu.memory_space<hbm>> -> memref<32x128xf32, #tpu.memory_space<hbm>>
      tpu.enqueue_dma source(%arg9 : memref<32x128xf32, #tpu.memory_space<vmem>>) target(%dma_start3A_16 : memref<32x128xf32, #tpu.memory_space<hbm>>) target_semaphore(%run_scoped3A : memref<!tpu.dma_semaphore, #tpu.memory_space<semaphore_mem>>)
      %dma_wait3A_17 = arith.constant 0 : i32
      %dma_wait3A_18 = tpu.memref_slice %arg7[%mul3A_2, %dma_wait3A_17] : memref<1024x128xf32, #tpu.memory_space<hbm>> -> memref<32x128xf32, #tpu.memory_space<hbm>>
      %dma_wait3A_19 = arith.constant 0 : i32
      %dma_wait3A_20 = tpu.memref_slice %arg7[%mul3A_2, %dma_wait3A_19] : memref<1024x128xf32, #tpu.memory_space<hbm>> -> memref<32x128xf32, #tpu.memory_space<hbm>>
      tpu.wait_dma2 semaphore(%run_scoped3A : memref<!tpu.dma_semaphore, #tpu.memory_space<semaphore_mem>>) src(%arg9 : memref<32x128xf32, #tpu.memory_space<vmem>>) dst(%dma_wait3A_20 : memref<32x128xf32, #tpu.memory_space<hbm>>)
      tpu.yield
    }) : () -> ()
    return
  }
}

module attributes {stable_mosaic.version = 14 : i64} {
  func.func @_loss_body(%arg0: i32, %arg1: i32, %arg2: memref<512x128xf32, #tpu.memory_space<vmem>>, %arg3: memref<1x128x512xf32, #tpu.memory_space<vmem>>, %arg4: memref<512x128xf32, #tpu.memory_space<vmem>>, %arg5: memref<512x128xf32, #tpu.memory_space<vmem>>, %arg6: memref<8x128xf32, #tpu.memory_space<vmem>>, %arg7: memref<3x512x128xf32, #tpu.memory_space<vmem>>) attributes {dimension_semantics = [#tpu.dimension_semantics<arbitrary>, #tpu.dimension_semantics<arbitrary>], iteration_bounds = array<i64: 4, 20>, scalar_prefetch = 0 : i64, scratch_operands = 1 : i64, tpu.core_type = #tpu.core_type<tc>, window_params = [{transform_indices = @transform_0, window_bounds = array<i64: 512, 128>}, {transform_indices = @transform_1, window_bounds = array<i64: 1, 128, 512>}, {transform_indices = @transform_2, window_bounds = array<i64: 512, 128>}, {transform_indices = @transform_3, window_bounds = array<i64: 512, 128>}, {transform_indices = @transform_4, window_bounds = array<i64: 8, 128>}]} {
    %get3A = arith.constant 0 : index
    %get3A_0 = arith.constant 0 : index
    %get3A_1 = vector.load %arg2[%get3A, %get3A_0] : memref<512x128xf32, #tpu.memory_space<vmem>>, vector<512x128xf32>
    %reduce_sum3A = arith.constant dense<0.000000e+00> : vector<512xf32>
    %reduce_sum3A_2 = vector.multi_reduction <add>, %get3A_1, %reduce_sum3A [1] : vector<512x128xf32> to vector<512xf32>
    %broadcast_in_dim3A = vector.shape_cast %reduce_sum3A_2 : vector<512xf32> to vector<512x1xf32>
    %iota3A = tpu.iota {dimensions = array<i32: 1>} : vector<512x512xi32>
    %convert_element_type3A = arith.sitofp %iota3A : vector<512x512xi32> to vector<512x512xf32>
    %iota3A_3 = tpu.iota {dimensions = array<i32: 1>} : vector<512x128xi32>
    %eq3A = arith.constant 0 : i32
    %eq3A_4 = arith.cmpi eq, %arg1, %eq3A : i32
    %convert_element_type3A_5 = arith.extui %eq3A_4 : i1 to i32
    %cond3A = arith.constant 3.000000e+38 : f32
    %cond3A_6 = arith.constant 0 : i32
    %cond3A_7 = arith.cmpi ne, %convert_element_type3A_5, %cond3A_6 : i32
    scf.if %cond3A_7 {
      %broadcast_in_dim3A_995 = vector.broadcast %cond3A : f32 to vector<512x128xf32>
      %swap3A_996 = arith.constant 0 : index
      %swap3A_997 = arith.constant 0 : index
      %swap3A_998 = arith.constant 0 : index
      %swap3A_999 = vector.load %arg7[%swap3A_996, %swap3A_997, %swap3A_998] : memref<3x512x128xf32, #tpu.memory_space<vmem>>, vector<1x512x128xf32>
      %swap3A_1000 = vector.shape_cast %swap3A_999 : vector<1x512x128xf32> to vector<512x128xf32>
      %swap3A_1001 = vector.shape_cast %broadcast_in_dim3A_995 : vector<512x128xf32> to vector<1x512x128xf32>
      tpu.vector_store %arg7[%swap3A_996, %swap3A_997, %swap3A_998], %swap3A_1001 {strides = array<i32>} : memref<3x512x128xf32, #tpu.memory_space<vmem>>, vector<1x512x128xf32>,
      %broadcast_in_dim3A_1002 = vector.broadcast %cond3A : f32 to vector<512x128xf32>
      %swap3A_1003 = arith.constant 1 : index
      %swap3A_1004 = arith.constant 0 : index
      %swap3A_1005 = arith.constant 0 : index
      %swap3A_1006 = vector.load %arg7[%swap3A_1003, %swap3A_1004, %swap3A_1005] : memref<3x512x128xf32, #tpu.memory_space<vmem>>, vector<1x512x128xf32>
      %swap3A_1007 = vector.shape_cast %swap3A_1006 : vector<1x512x128xf32> to vector<512x128xf32>
      %swap3A_1008 = vector.shape_cast %broadcast_in_dim3A_1002 : vector<512x128xf32> to vector<1x512x128xf32>
      tpu.vector_store %arg7[%swap3A_1003, %swap3A_1004, %swap3A_1005], %swap3A_1008 {strides = array<i32>} : memref<3x512x128xf32, #tpu.memory_space<vmem>>, vector<1x512x128xf32>,
      %broadcast_in_dim3A_1009 = vector.broadcast %cond3A : f32 to vector<512x128xf32>
      %swap3A_1010 = arith.constant 2 : index
      %swap3A_1011 = arith.constant 0 : index
      %swap3A_1012 = arith.constant 0 : index
      %swap3A_1013 = vector.load %arg7[%swap3A_1010, %swap3A_1011, %swap3A_1012] : memref<3x512x128xf32, #tpu.memory_space<vmem>>, vector<1x512x128xf32>
      %swap3A_1014 = vector.shape_cast %swap3A_1013 : vector<1x512x128xf32> to vector<512x128xf32>
      %swap3A_1015 = vector.shape_cast %broadcast_in_dim3A_1009 : vector<512x128xf32> to vector<1x512x128xf32>
      tpu.vector_store %arg7[%swap3A_1010, %swap3A_1011, %swap3A_1012], %swap3A_1015 {strides = array<i32>} : memref<3x512x128xf32, #tpu.memory_space<vmem>>, vector<1x512x128xf32>,
    } else {
    }
    %mul3A = arith.constant 1 : i32
    %mul3A_8 = arith.muli %arg1, %mul3A : i32
    %mul3A_9 = arith.constant 1 : i32
    %mul3A_10 = arith.muli %arg1, %mul3A_9 : i32
    %jit3A = arith.constant 8 : i32
    %div3A = arith.divsi %mul3A_10, %jit3A : i32
    %sign3A = arith.constant 0 : i32
    %sign3A_11 = arith.cmpi sgt, %mul3A_10, %sign3A : i32
    %sign3A_12 = arith.extui %sign3A_11 : i1 to i32
    %sign3A_13 = arith.constant 0 : i32
    %sign3A_14 = arith.cmpi slt, %mul3A_10, %sign3A_13 : i32
    %sign3A_15 = arith.extui %sign3A_14 : i1 to i32
    %sign3A_16 = arith.subi %sign3A_12, %sign3A_15 : i32
    %sign3A_17 = arith.constant 0 : i32
    %sign3A_18 = arith.cmpi sgt, %jit3A, %sign3A_17 : i32
    %sign3A_19 = arith.extui %sign3A_18 : i1 to i32
    %sign3A_20 = arith.constant 0 : i32
    %sign3A_21 = arith.cmpi slt, %jit3A, %sign3A_20 : i32
    %sign3A_22 = arith.extui %sign3A_21 : i1 to i32
    %sign3A_23 = arith.subi %sign3A_19, %sign3A_22 : i32
    %ne3A = arith.cmpi ne, %sign3A_16, %sign3A_23 : i32
    %rem3A = arith.remsi %mul3A_10, %jit3A : i32
    %ne3A_24 = arith.constant 0 : i32
    %ne3A_25 = arith.cmpi ne, %rem3A, %ne3A_24 : i32
    %and3A = arith.andi %ne3A, %ne3A_25 : i1
    %sub3A = arith.constant 1 : i32
    %sub3A_26 = arith.subi %div3A, %sub3A : i32
    %select_n3A = arith.select %and3A, %sub3A_26, %div3A : i32
    %get3A_27 = arith.constant 0 : index
    %get3A_28 = arith.constant 0 : index
    %get3A_29 = arith.constant 0 : index
    %get3A_30 = vector.load %arg3[%get3A_27, %get3A_28, %get3A_29] : memref<1x128x512xf32, #tpu.memory_space<vmem>>, vector<1x128x512xf32>
    %get3A_31 = vector.shape_cast %get3A_30 : vector<1x128x512xf32> to vector<128x512xf32>
    %reduce_sum3A_32 = arith.constant dense<0.000000e+00> : vector<512xf32>
    %reduce_sum3A_33 = vector.multi_reduction <add>, %get3A_31, %reduce_sum3A_32 [0] : vector<128x512xf32> to vector<512xf32>
    %broadcast_in_dim3A_34 = vector.shape_cast %reduce_sum3A_33 : vector<512xf32> to vector<1x512xf32>
    %add3A = arith.constant 0 : i32
    %add3A_35 = arith.addi %mul3A_8, %add3A : i32
    %jit3A_36 = arith.constant 8 : i32
    %eq3A_37 = arith.constant 0 : i32
    %eq3A_38 = arith.cmpi eq, %jit3A_36, %eq3A_37 : i32
    %jit3A_39 = arith.constant 1 : i32
    %select_n3A_40 = arith.select %eq3A_38, %jit3A_39, %jit3A_36 : i32
    %rem3A_41 = arith.remsi %add3A_35, %select_n3A_40 : i32
    %ne3A_42 = arith.constant 0 : i32
    %ne3A_43 = arith.cmpi ne, %rem3A_41, %ne3A_42 : i32
    %lt3A = arith.constant 0 : i32
    %lt3A_44 = arith.cmpi slt, %rem3A_41, %lt3A : i32
    %lt3A_45 = arith.constant 0 : i32
    %lt3A_46 = arith.cmpi slt, %select_n3A_40, %lt3A_45 : i32
    %ne3A_47 = arith.xori %lt3A_44, %lt3A_46 : i1
    %and3A_48 = arith.andi %ne3A_47, %ne3A_43 : i1
    %add3A_49 = arith.addi %rem3A_41, %select_n3A_40 : i32
    %select_n3A_50 = arith.select %and3A_48, %add3A_49, %rem3A_41 : i32
    %mul3A_51 = arith.constant 16 : i32
    %mul3A_52 = arith.muli %select_n3A_50, %mul3A_51 : i32
    %broadcast_in_dim3A_53 = arith.constant 0.000000e+00 : f32
    %broadcast_in_dim3A_54 = vector.broadcast %broadcast_in_dim3A_53 : f32 to vector<512x512xf32>
    %slice3A = vector.extract_strided_slice %get3A_1 {offsets = [0, 0], sizes = [512, 1], strides = [1, 1]} : vector<512x128xf32> to vector<512x1xf32>
    %slice3A_55 = vector.extract_strided_slice %get3A_31 {offsets = [0, 0], sizes = [1, 512], strides = [1, 1]} : vector<128x512xf32> to vector<1x512xf32>
    %min3A = vector.broadcast %slice3A : vector<512x1xf32> to vector<512x512xf32>
    %min3A_56 = vector.broadcast %slice3A_55 : vector<1x512xf32> to vector<512x512xf32>
    %min3A_57 = arith.minimumf %min3A, %min3A_56 : vector<512x512xf32>
    %add3A_58 = arith.addf %broadcast_in_dim3A_54, %min3A_57 : vector<512x512xf32>
    %slice3A_59 = vector.extract_strided_slice %get3A_1 {offsets = [0, 1], sizes = [512, 1], strides = [1, 1]} : vector<512x128xf32> to vector<512x1xf32>
    %slice3A_60 = vector.extract_strided_slice %get3A_31 {offsets = [1, 0], sizes = [1, 512], strides = [1, 1]} : vector<128x512xf32> to vector<1x512xf32>
    %min3A_61 = vector.broadcast %slice3A_59 : vector<512x1xf32> to vector<512x512xf32>
    %min3A_62 = vector.broadcast %slice3A_60 : vector<1x512xf32> to vector<512x512xf32>
    %min3A_63 = arith.minimumf %min3A_61, %min3A_62 : vector<512x512xf32>
    %add3A_64 = arith.addf %add3A_58, %min3A_63 : vector<512x512xf32>
    %slice3A_65 = vector.extract_strided_slice %get3A_1 {offsets = [0, 2], sizes = [512, 1], strides = [1, 1]} : vector<512x128xf32> to vector<512x1xf32>
    %slice3A_66 = vector.extract_strided_slice %get3A_31 {offsets = [2, 0], sizes = [1, 512], strides = [1, 1]} : vector<128x512xf32> to vector<1x512xf32>
    %min3A_67 = vector.broadcast %slice3A_65 : vector<512x1xf32> to vector<512x512xf32>
    %min3A_68 = vector.broadcast %slice3A_66 : vector<1x512xf32> to vector<512x512xf32>
    %min3A_69 = arith.minimumf %min3A_67, %min3A_68 : vector<512x512xf32>
    %add3A_70 = arith.addf %add3A_64, %min3A_69 : vector<512x512xf32>
    %slice3A_71 = vector.extract_strided_slice %get3A_1 {offsets = [0, 3], sizes = [512, 1], strides = [1, 1]} : vector<512x128xf32> to vector<512x1xf32>
    %slice3A_72 = vector.extract_strided_slice %get3A_31 {offsets = [3, 0], sizes = [1, 512], strides = [1, 1]} : vector<128x512xf32> to vector<1x512xf32>
    %min3A_73 = vector.broadcast %slice3A_71 : vector<512x1xf32> to vector<512x512xf32>
    %min3A_74 = vector.broadcast %slice3A_72 : vector<1x512xf32> to vector<512x512xf32>
    %min3A_75 = arith.minimumf %min3A_73, %min3A_74 : vector<512x512xf32>
    %add3A_76 = arith.addf %add3A_70, %min3A_75 : vector<512x512xf32>
    %slice3A_77 = vector.extract_strided_slice %get3A_1 {offsets = [0, 4], sizes = [512, 1], strides = [1, 1]} : vector<512x128xf32> to vector<512x1xf32>
    %slice3A_78 = vector.extract_strided_slice %get3A_31 {offsets = [4, 0], sizes = [1, 512], strides = [1, 1]} : vector<128x512xf32> to vector<1x512xf32>
    %min3A_79 = vector.broadcast %slice3A_77 : vector<512x1xf32> to vector<512x512xf32>
    %min3A_80 = vector.broadcast %slice3A_78 : vector<1x512xf32> to vector<512x512xf32>
    %min3A_81 = arith.minimumf %min3A_79, %min3A_80 : vector<512x512xf32>
    %add3A_82 = arith.addf %add3A_76, %min3A_81 : vector<512x512xf32>
    %slice3A_83 = vector.extract_strided_slice %get3A_1 {offsets = [0, 5], sizes = [512, 1], strides = [1, 1]} : vector<512x128xf32> to vector<512x1xf32>
    %slice3A_84 = vector.extract_strided_slice %get3A_31 {offsets = [5, 0], sizes = [1, 512], strides = [1, 1]} : vector<128x512xf32> to vector<1x512xf32>
    %min3A_85 = vector.broadcast %slice3A_83 : vector<512x1xf32> to vector<512x512xf32>
    %min3A_86 = vector.broadcast %slice3A_84 : vector<1x512xf32> to vector<512x512xf32>
    %min3A_87 = arith.minimumf %min3A_85, %min3A_86 : vector<512x512xf32>
    %add3A_88 = arith.addf %add3A_82, %min3A_87 : vector<512x512xf32>
    %slice3A_89 = vector.extract_strided_slice %get3A_1 {offsets = [0, 6], sizes = [512, 1], strides = [1, 1]} : vector<512x128xf32> to vector<512x1xf32>
    %slice3A_90 = vector.extract_strided_slice %get3A_31 {offsets = [6, 0], sizes = [1, 512], strides = [1, 1]} : vector<128x512xf32> to vector<1x512xf32>
    %min3A_91 = vector.broadcast %slice3A_89 : vector<512x1xf32> to vector<512x512xf32>
    %min3A_92 = vector.broadcast %slice3A_90 : vector<1x512xf32> to vector<512x512xf32>
    %min3A_93 = arith.minimumf %min3A_91, %min3A_92 : vector<512x512xf32>
    %add3A_94 = arith.addf %add3A_88, %min3A_93 : vector<512x512xf32>
    %slice3A_95 = vector.extract_strided_slice %get3A_1 {offsets = [0, 7], sizes = [512, 1], strides = [1, 1]} : vector<512x128xf32> to vector<512x1xf32>
    %slice3A_96 = vector.extract_strided_slice %get3A_31 {offsets = [7, 0], sizes = [1, 512], strides = [1, 1]} : vector<128x512xf32> to vector<1x512xf32>
    %min3A_97 = vector.broadcast %slice3A_95 : vector<512x1xf32> to vector<512x512xf32>
    %min3A_98 = vector.broadcast %slice3A_96 : vector<1x512xf32> to vector<512x512xf32>
    %min3A_99 = arith.minimumf %min3A_97, %min3A_98 : vector<512x512xf32>
    %add3A_100 = arith.addf %add3A_94, %min3A_99 : vector<512x512xf32>
    %slice3A_101 = vector.extract_strided_slice %get3A_1 {offsets = [0, 8], sizes = [512, 1], strides = [1, 1]} : vector<512x128xf32> to vector<512x1xf32>
    %slice3A_102 = vector.extract_strided_slice %get3A_31 {offsets = [8, 0], sizes = [1, 512], strides = [1, 1]} : vector<128x512xf32> to vector<1x512xf32>
    %min3A_103 = vector.broadcast %slice3A_101 : vector<512x1xf32> to vector<512x512xf32>
    %min3A_104 = vector.broadcast %slice3A_102 : vector<1x512xf32> to vector<512x512xf32>
    %min3A_105 = arith.minimumf %min3A_103, %min3A_104 : vector<512x512xf32>
    %add3A_106 = arith.addf %add3A_100, %min3A_105 : vector<512x512xf32>
    %slice3A_107 = vector.extract_strided_slice %get3A_1 {offsets = [0, 9], sizes = [512, 1], strides = [1, 1]} : vector<512x128xf32> to vector<512x1xf32>
    %slice3A_108 = vector.extract_strided_slice %get3A_31 {offsets = [9, 0], sizes = [1, 512], strides = [1, 1]} : vector<128x512xf32> to vector<1x512xf32>
    %min3A_109 = vector.broadcast %slice3A_107 : vector<512x1xf32> to vector<512x512xf32>
    %min3A_110 = vector.broadcast %slice3A_108 : vector<1x512xf32> to vector<512x512xf32>
    %min3A_111 = arith.minimumf %min3A_109, %min3A_110 : vector<512x512xf32>
    %add3A_112 = arith.addf %add3A_106, %min3A_111 : vector<512x512xf32>
    %slice3A_113 = vector.extract_strided_slice %get3A_1 {offsets = [0, 10], sizes = [512, 1], strides = [1, 1]} : vector<512x128xf32> to vector<512x1xf32>
    %slice3A_114 = vector.extract_strided_slice %get3A_31 {offsets = [10, 0], sizes = [1, 512], strides = [1, 1]} : vector<128x512xf32> to vector<1x512xf32>
    %min3A_115 = vector.broadcast %slice3A_113 : vector<512x1xf32> to vector<512x512xf32>
    %min3A_116 = vector.broadcast %slice3A_114 : vector<1x512xf32> to vector<512x512xf32>
    %min3A_117 = arith.minimumf %min3A_115, %min3A_116 : vector<512x512xf32>
    %add3A_118 = arith.addf %add3A_112, %min3A_117 : vector<512x512xf32>
    %slice3A_119 = vector.extract_strided_slice %get3A_1 {offsets = [0, 11], sizes = [512, 1], strides = [1, 1]} : vector<512x128xf32> to vector<512x1xf32>
    %slice3A_120 = vector.extract_strided_slice %get3A_31 {offsets = [11, 0], sizes = [1, 512], strides = [1, 1]} : vector<128x512xf32> to vector<1x512xf32>
    %min3A_121 = vector.broadcast %slice3A_119 : vector<512x1xf32> to vector<512x512xf32>
    %min3A_122 = vector.broadcast %slice3A_120 : vector<1x512xf32> to vector<512x512xf32>
    %min3A_123 = arith.minimumf %min3A_121, %min3A_122 : vector<512x512xf32>
    %add3A_124 = arith.addf %add3A_118, %min3A_123 : vector<512x512xf32>
    %slice3A_125 = vector.extract_strided_slice %get3A_1 {offsets = [0, 12], sizes = [512, 1], strides = [1, 1]} : vector<512x128xf32> to vector<512x1xf32>
    %slice3A_126 = vector.extract_strided_slice %get3A_31 {offsets = [12, 0], sizes = [1, 512], strides = [1, 1]} : vector<128x512xf32> to vector<1x512xf32>
    %min3A_127 = vector.broadcast %slice3A_125 : vector<512x1xf32> to vector<512x512xf32>
    %min3A_128 = vector.broadcast %slice3A_126 : vector<1x512xf32> to vector<512x512xf32>
    %min3A_129 = arith.minimumf %min3A_127, %min3A_128 : vector<512x512xf32>
    %add3A_130 = arith.addf %add3A_124, %min3A_129 : vector<512x512xf32>
    %slice3A_131 = vector.extract_strided_slice %get3A_1 {offsets = [0, 13], sizes = [512, 1], strides = [1, 1]} : vector<512x128xf32> to vector<512x1xf32>
    %slice3A_132 = vector.extract_strided_slice %get3A_31 {offsets = [13, 0], sizes = [1, 512], strides = [1, 1]} : vector<128x512xf32> to vector<1x512xf32>
    %min3A_133 = vector.broadcast %slice3A_131 : vector<512x1xf32> to vector<512x512xf32>
    %min3A_134 = vector.broadcast %slice3A_132 : vector<1x512xf32> to vector<512x512xf32>
    %min3A_135 = arith.minimumf %min3A_133, %min3A_134 : vector<512x512xf32>
    %add3A_136 = arith.addf %add3A_130, %min3A_135 : vector<512x512xf32>
    %slice3A_137 = vector.extract_strided_slice %get3A_1 {offsets = [0, 14], sizes = [512, 1], strides = [1, 1]} : vector<512x128xf32> to vector<512x1xf32>
    %slice3A_138 = vector.extract_strided_slice %get3A_31 {offsets = [14, 0], sizes = [1, 512], strides = [1, 1]} : vector<128x512xf32> to vector<1x512xf32>
    %min3A_139 = vector.broadcast %slice3A_137 : vector<512x1xf32> to vector<512x512xf32>
    %min3A_140 = vector.broadcast %slice3A_138 : vector<1x512xf32> to vector<512x512xf32>
    %min3A_141 = arith.minimumf %min3A_139, %min3A_140 : vector<512x512xf32>
    %add3A_142 = arith.addf %add3A_136, %min3A_141 : vector<512x512xf32>
    %slice3A_143 = vector.extract_strided_slice %get3A_1 {offsets = [0, 15], sizes = [512, 1], strides = [1, 1]} : vector<512x128xf32> to vector<512x1xf32>
    %slice3A_144 = vector.extract_strided_slice %get3A_31 {offsets = [15, 0], sizes = [1, 512], strides = [1, 1]} : vector<128x512xf32> to vector<1x512xf32>
    %min3A_145 = vector.broadcast %slice3A_143 : vector<512x1xf32> to vector<512x512xf32>
    %min3A_146 = vector.broadcast %slice3A_144 : vector<1x512xf32> to vector<512x512xf32>
    %min3A_147 = arith.minimumf %min3A_145, %min3A_146 : vector<512x512xf32>
    %add3A_148 = arith.addf %add3A_142, %min3A_147 : vector<512x512xf32>
    %slice3A_149 = vector.extract_strided_slice %get3A_1 {offsets = [0, 16], sizes = [512, 1], strides = [1, 1]} : vector<512x128xf32> to vector<512x1xf32>
    %slice3A_150 = vector.extract_strided_slice %get3A_31 {offsets = [16, 0], sizes = [1, 512], strides = [1, 1]} : vector<128x512xf32> to vector<1x512xf32>
    %min3A_151 = vector.broadcast %slice3A_149 : vector<512x1xf32> to vector<512x512xf32>
    %min3A_152 = vector.broadcast %slice3A_150 : vector<1x512xf32> to vector<512x512xf32>
    %min3A_153 = arith.minimumf %min3A_151, %min3A_152 : vector<512x512xf32>
    %add3A_154 = arith.addf %add3A_148, %min3A_153 : vector<512x512xf32>
    %slice3A_155 = vector.extract_strided_slice %get3A_1 {offsets = [0, 17], sizes = [512, 1], strides = [1, 1]} : vector<512x128xf32> to vector<512x1xf32>
    %slice3A_156 = vector.extract_strided_slice %get3A_31 {offsets = [17, 0], sizes = [1, 512], strides = [1, 1]} : vector<128x512xf32> to vector<1x512xf32>
    %min3A_157 = vector.broadcast %slice3A_155 : vector<512x1xf32> to vector<512x512xf32>
    %min3A_158 = vector.broadcast %slice3A_156 : vector<1x512xf32> to vector<512x512xf32>
    %min3A_159 = arith.minimumf %min3A_157, %min3A_158 : vector<512x512xf32>
    %add3A_160 = arith.addf %add3A_154, %min3A_159 : vector<512x512xf32>
    %slice3A_161 = vector.extract_strided_slice %get3A_1 {offsets = [0, 18], sizes = [512, 1], strides = [1, 1]} : vector<512x128xf32> to vector<512x1xf32>
    %slice3A_162 = vector.extract_strided_slice %get3A_31 {offsets = [18, 0], sizes = [1, 512], strides = [1, 1]} : vector<128x512xf32> to vector<1x512xf32>
    %min3A_163 = vector.broadcast %slice3A_161 : vector<512x1xf32> to vector<512x512xf32>
    %min3A_164 = vector.broadcast %slice3A_162 : vector<1x512xf32> to vector<512x512xf32>
    %min3A_165 = arith.minimumf %min3A_163, %min3A_164 : vector<512x512xf32>
    %add3A_166 = arith.addf %add3A_160, %min3A_165 : vector<512x512xf32>
    %slice3A_167 = vector.extract_strided_slice %get3A_1 {offsets = [0, 19], sizes = [512, 1], strides = [1, 1]} : vector<512x128xf32> to vector<512x1xf32>
    %slice3A_168 = vector.extract_strided_slice %get3A_31 {offsets = [19, 0], sizes = [1, 512], strides = [1, 1]} : vector<128x512xf32> to vector<1x512xf32>
    %min3A_169 = vector.broadcast %slice3A_167 : vector<512x1xf32> to vector<512x512xf32>
    %min3A_170 = vector.broadcast %slice3A_168 : vector<1x512xf32> to vector<512x512xf32>
    %min3A_171 = arith.minimumf %min3A_169, %min3A_170 : vector<512x512xf32>
    %add3A_172 = arith.addf %add3A_166, %min3A_171 : vector<512x512xf32>
    %slice3A_173 = vector.extract_strided_slice %get3A_1 {offsets = [0, 20], sizes = [512, 1], strides = [1, 1]} : vector<512x128xf32> to vector<512x1xf32>
    %slice3A_174 = vector.extract_strided_slice %get3A_31 {offsets = [20, 0], sizes = [1, 512], strides = [1, 1]} : vector<128x512xf32> to vector<1x512xf32>
    %min3A_175 = vector.broadcast %slice3A_173 : vector<512x1xf32> to vector<512x512xf32>
    %min3A_176 = vector.broadcast %slice3A_174 : vector<1x512xf32> to vector<512x512xf32>
    %min3A_177 = arith.minimumf %min3A_175, %min3A_176 : vector<512x512xf32>
    %add3A_178 = arith.addf %add3A_172, %min3A_177 : vector<512x512xf32>
    %slice3A_179 = vector.extract_strided_slice %get3A_1 {offsets = [0, 21], sizes = [512, 1], strides = [1, 1]} : vector<512x128xf32> to vector<512x1xf32>
    %slice3A_180 = vector.extract_strided_slice %get3A_31 {offsets = [21, 0], sizes = [1, 512], strides = [1, 1]} : vector<128x512xf32> to vector<1x512xf32>
    %min3A_181 = vector.broadcast %slice3A_179 : vector<512x1xf32> to vector<512x512xf32>
    %min3A_182 = vector.broadcast %slice3A_180 : vector<1x512xf32> to vector<512x512xf32>
    %min3A_183 = arith.minimumf %min3A_181, %min3A_182 : vector<512x512xf32>
    %add3A_184 = arith.addf %add3A_178, %min3A_183 : vector<512x512xf32>
    %slice3A_185 = vector.extract_strided_slice %get3A_1 {offsets = [0, 22], sizes = [512, 1], strides = [1, 1]} : vector<512x128xf32> to vector<512x1xf32>
    %slice3A_186 = vector.extract_strided_slice %get3A_31 {offsets = [22, 0], sizes = [1, 512], strides = [1, 1]} : vector<128x512xf32> to vector<1x512xf32>
    %min3A_187 = vector.broadcast %slice3A_185 : vector<512x1xf32> to vector<512x512xf32>
    %min3A_188 = vector.broadcast %slice3A_186 : vector<1x512xf32> to vector<512x512xf32>
    %min3A_189 = arith.minimumf %min3A_187, %min3A_188 : vector<512x512xf32>
    %add3A_190 = arith.addf %add3A_184, %min3A_189 : vector<512x512xf32>
    %slice3A_191 = vector.extract_strided_slice %get3A_1 {offsets = [0, 23], sizes = [512, 1], strides = [1, 1]} : vector<512x128xf32> to vector<512x1xf32>
    %slice3A_192 = vector.extract_strided_slice %get3A_31 {offsets = [23, 0], sizes = [1, 512], strides = [1, 1]} : vector<128x512xf32> to vector<1x512xf32>
    %min3A_193 = vector.broadcast %slice3A_191 : vector<512x1xf32> to vector<512x512xf32>
    %min3A_194 = vector.broadcast %slice3A_192 : vector<1x512xf32> to vector<512x512xf32>
    %min3A_195 = arith.minimumf %min3A_193, %min3A_194 : vector<512x512xf32>
    %add3A_196 = arith.addf %add3A_190, %min3A_195 : vector<512x512xf32>
    %slice3A_197 = vector.extract_strided_slice %get3A_1 {offsets = [0, 24], sizes = [512, 1], strides = [1, 1]} : vector<512x128xf32> to vector<512x1xf32>
    %slice3A_198 = vector.extract_strided_slice %get3A_31 {offsets = [24, 0], sizes = [1, 512], strides = [1, 1]} : vector<128x512xf32> to vector<1x512xf32>
    %min3A_199 = vector.broadcast %slice3A_197 : vector<512x1xf32> to vector<512x512xf32>
    %min3A_200 = vector.broadcast %slice3A_198 : vector<1x512xf32> to vector<512x512xf32>
    %min3A_201 = arith.minimumf %min3A_199, %min3A_200 : vector<512x512xf32>
    %add3A_202 = arith.addf %add3A_196, %min3A_201 : vector<512x512xf32>
    %slice3A_203 = vector.extract_strided_slice %get3A_1 {offsets = [0, 25], sizes = [512, 1], strides = [1, 1]} : vector<512x128xf32> to vector<512x1xf32>
    %slice3A_204 = vector.extract_strided_slice %get3A_31 {offsets = [25, 0], sizes = [1, 512], strides = [1, 1]} : vector<128x512xf32> to vector<1x512xf32>
    %min3A_205 = vector.broadcast %slice3A_203 : vector<512x1xf32> to vector<512x512xf32>
    %min3A_206 = vector.broadcast %slice3A_204 : vector<1x512xf32> to vector<512x512xf32>
    %min3A_207 = arith.minimumf %min3A_205, %min3A_206 : vector<512x512xf32>
    %add3A_208 = arith.addf %add3A_202, %min3A_207 : vector<512x512xf32>
    %slice3A_209 = vector.extract_strided_slice %get3A_1 {offsets = [0, 26], sizes = [512, 1], strides = [1, 1]} : vector<512x128xf32> to vector<512x1xf32>
    %slice3A_210 = vector.extract_strided_slice %get3A_31 {offsets = [26, 0], sizes = [1, 512], strides = [1, 1]} : vector<128x512xf32> to vector<1x512xf32>
    %min3A_211 = vector.broadcast %slice3A_209 : vector<512x1xf32> to vector<512x512xf32>
    %min3A_212 = vector.broadcast %slice3A_210 : vector<1x512xf32> to vector<512x512xf32>
    %min3A_213 = arith.minimumf %min3A_211, %min3A_212 : vector<512x512xf32>
    %add3A_214 = arith.addf %add3A_208, %min3A_213 : vector<512x512xf32>
    %slice3A_215 = vector.extract_strided_slice %get3A_1 {offsets = [0, 27], sizes = [512, 1], strides = [1, 1]} : vector<512x128xf32> to vector<512x1xf32>
    %slice3A_216 = vector.extract_strided_slice %get3A_31 {offsets = [27, 0], sizes = [1, 512], strides = [1, 1]} : vector<128x512xf32> to vector<1x512xf32>
    %min3A_217 = vector.broadcast %slice3A_215 : vector<512x1xf32> to vector<512x512xf32>
    %min3A_218 = vector.broadcast %slice3A_216 : vector<1x512xf32> to vector<512x512xf32>
    %min3A_219 = arith.minimumf %min3A_217, %min3A_218 : vector<512x512xf32>
    %add3A_220 = arith.addf %add3A_214, %min3A_219 : vector<512x512xf32>
    %slice3A_221 = vector.extract_strided_slice %get3A_1 {offsets = [0, 28], sizes = [512, 1], strides = [1, 1]} : vector<512x128xf32> to vector<512x1xf32>
    %slice3A_222 = vector.extract_strided_slice %get3A_31 {offsets = [28, 0], sizes = [1, 512], strides = [1, 1]} : vector<128x512xf32> to vector<1x512xf32>
    %min3A_223 = vector.broadcast %slice3A_221 : vector<512x1xf32> to vector<512x512xf32>
    %min3A_224 = vector.broadcast %slice3A_222 : vector<1x512xf32> to vector<512x512xf32>
    %min3A_225 = arith.minimumf %min3A_223, %min3A_224 : vector<512x512xf32>
    %add3A_226 = arith.addf %add3A_220, %min3A_225 : vector<512x512xf32>
    %slice3A_227 = vector.extract_strided_slice %get3A_1 {offsets = [0, 29], sizes = [512, 1], strides = [1, 1]} : vector<512x128xf32> to vector<512x1xf32>
    %slice3A_228 = vector.extract_strided_slice %get3A_31 {offsets = [29, 0], sizes = [1, 512], strides = [1, 1]} : vector<128x512xf32> to vector<1x512xf32>
    %min3A_229 = vector.broadcast %slice3A_227 : vector<512x1xf32> to vector<512x512xf32>
    %min3A_230 = vector.broadcast %slice3A_228 : vector<1x512xf32> to vector<512x512xf32>
    %min3A_231 = arith.minimumf %min3A_229, %min3A_230 : vector<512x512xf32>
    %add3A_232 = arith.addf %add3A_226, %min3A_231 : vector<512x512xf32>
    %slice3A_233 = vector.extract_strided_slice %get3A_1 {offsets = [0, 30], sizes = [512, 1], strides = [1, 1]} : vector<512x128xf32> to vector<512x1xf32>
    %slice3A_234 = vector.extract_strided_slice %get3A_31 {offsets = [30, 0], sizes = [1, 512], strides = [1, 1]} : vector<128x512xf32> to vector<1x512xf32>
    %min3A_235 = vector.broadcast %slice3A_233 : vector<512x1xf32> to vector<512x512xf32>
    %min3A_236 = vector.broadcast %slice3A_234 : vector<1x512xf32> to vector<512x512xf32>
    %min3A_237 = arith.minimumf %min3A_235, %min3A_236 : vector<512x512xf32>
    %add3A_238 = arith.addf %add3A_232, %min3A_237 : vector<512x512xf32>
    %slice3A_239 = vector.extract_strided_slice %get3A_1 {offsets = [0, 31], sizes = [512, 1], strides = [1, 1]} : vector<512x128xf32> to vector<512x1xf32>
    %slice3A_240 = vector.extract_strided_slice %get3A_31 {offsets = [31, 0], sizes = [1, 512], strides = [1, 1]} : vector<128x512xf32> to vector<1x512xf32>
    %min3A_241 = vector.broadcast %slice3A_239 : vector<512x1xf32> to vector<512x512xf32>
    %min3A_242 = vector.broadcast %slice3A_240 : vector<1x512xf32> to vector<512x512xf32>
    %min3A_243 = arith.minimumf %min3A_241, %min3A_242 : vector<512x512xf32>
    %add3A_244 = arith.addf %add3A_238, %min3A_243 : vector<512x512xf32>
    %slice3A_245 = vector.extract_strided_slice %get3A_1 {offsets = [0, 32], sizes = [512, 1], strides = [1, 1]} : vector<512x128xf32> to vector<512x1xf32>
    %slice3A_246 = vector.extract_strided_slice %get3A_31 {offsets = [32, 0], sizes = [1, 512], strides = [1, 1]} : vector<128x512xf32> to vector<1x512xf32>
    %min3A_247 = vector.broadcast %slice3A_245 : vector<512x1xf32> to vector<512x512xf32>
    %min3A_248 = vector.broadcast %slice3A_246 : vector<1x512xf32> to vector<512x512xf32>
    %min3A_249 = arith.minimumf %min3A_247, %min3A_248 : vector<512x512xf32>
    %add3A_250 = arith.addf %add3A_244, %min3A_249 : vector<512x512xf32>
    %slice3A_251 = vector.extract_strided_slice %get3A_1 {offsets = [0, 33], sizes = [512, 1], strides = [1, 1]} : vector<512x128xf32> to vector<512x1xf32>
    %slice3A_252 = vector.extract_strided_slice %get3A_31 {offsets = [33, 0], sizes = [1, 512], strides = [1, 1]} : vector<128x512xf32> to vector<1x512xf32>
    %min3A_253 = vector.broadcast %slice3A_251 : vector<512x1xf32> to vector<512x512xf32>
    %min3A_254 = vector.broadcast %slice3A_252 : vector<1x512xf32> to vector<512x512xf32>
    %min3A_255 = arith.minimumf %min3A_253, %min3A_254 : vector<512x512xf32>
    %add3A_256 = arith.addf %add3A_250, %min3A_255 : vector<512x512xf32>
    %slice3A_257 = vector.extract_strided_slice %get3A_1 {offsets = [0, 34], sizes = [512, 1], strides = [1, 1]} : vector<512x128xf32> to vector<512x1xf32>
    %slice3A_258 = vector.extract_strided_slice %get3A_31 {offsets = [34, 0], sizes = [1, 512], strides = [1, 1]} : vector<128x512xf32> to vector<1x512xf32>
    %min3A_259 = vector.broadcast %slice3A_257 : vector<512x1xf32> to vector<512x512xf32>
    %min3A_260 = vector.broadcast %slice3A_258 : vector<1x512xf32> to vector<512x512xf32>
    %min3A_261 = arith.minimumf %min3A_259, %min3A_260 : vector<512x512xf32>
    %add3A_262 = arith.addf %add3A_256, %min3A_261 : vector<512x512xf32>
    %slice3A_263 = vector.extract_strided_slice %get3A_1 {offsets = [0, 35], sizes = [512, 1], strides = [1, 1]} : vector<512x128xf32> to vector<512x1xf32>
    %slice3A_264 = vector.extract_strided_slice %get3A_31 {offsets = [35, 0], sizes = [1, 512], strides = [1, 1]} : vector<128x512xf32> to vector<1x512xf32>
    %min3A_265 = vector.broadcast %slice3A_263 : vector<512x1xf32> to vector<512x512xf32>
    %min3A_266 = vector.broadcast %slice3A_264 : vector<1x512xf32> to vector<512x512xf32>
    %min3A_267 = arith.minimumf %min3A_265, %min3A_266 : vector<512x512xf32>
    %add3A_268 = arith.addf %add3A_262, %min3A_267 : vector<512x512xf32>
    %slice3A_269 = vector.extract_strided_slice %get3A_1 {offsets = [0, 36], sizes = [512, 1], strides = [1, 1]} : vector<512x128xf32> to vector<512x1xf32>
    %slice3A_270 = vector.extract_strided_slice %get3A_31 {offsets = [36, 0], sizes = [1, 512], strides = [1, 1]} : vector<128x512xf32> to vector<1x512xf32>
    %min3A_271 = vector.broadcast %slice3A_269 : vector<512x1xf32> to vector<512x512xf32>
    %min3A_272 = vector.broadcast %slice3A_270 : vector<1x512xf32> to vector<512x512xf32>
    %min3A_273 = arith.minimumf %min3A_271, %min3A_272 : vector<512x512xf32>
    %add3A_274 = arith.addf %add3A_268, %min3A_273 : vector<512x512xf32>
    %slice3A_275 = vector.extract_strided_slice %get3A_1 {offsets = [0, 37], sizes = [512, 1], strides = [1, 1]} : vector<512x128xf32> to vector<512x1xf32>
    %slice3A_276 = vector.extract_strided_slice %get3A_31 {offsets = [37, 0], sizes = [1, 512], strides = [1, 1]} : vector<128x512xf32> to vector<1x512xf32>
    %min3A_277 = vector.broadcast %slice3A_275 : vector<512x1xf32> to vector<512x512xf32>
    %min3A_278 = vector.broadcast %slice3A_276 : vector<1x512xf32> to vector<512x512xf32>
    %min3A_279 = arith.minimumf %min3A_277, %min3A_278 : vector<512x512xf32>
    %add3A_280 = arith.addf %add3A_274, %min3A_279 : vector<512x512xf32>
    %slice3A_281 = vector.extract_strided_slice %get3A_1 {offsets = [0, 38], sizes = [512, 1], strides = [1, 1]} : vector<512x128xf32> to vector<512x1xf32>
    %slice3A_282 = vector.extract_strided_slice %get3A_31 {offsets = [38, 0], sizes = [1, 512], strides = [1, 1]} : vector<128x512xf32> to vector<1x512xf32>
    %min3A_283 = vector.broadcast %slice3A_281 : vector<512x1xf32> to vector<512x512xf32>
    %min3A_284 = vector.broadcast %slice3A_282 : vector<1x512xf32> to vector<512x512xf32>
    %min3A_285 = arith.minimumf %min3A_283, %min3A_284 : vector<512x512xf32>
    %add3A_286 = arith.addf %add3A_280, %min3A_285 : vector<512x512xf32>
    %slice3A_287 = vector.extract_strided_slice %get3A_1 {offsets = [0, 39], sizes = [512, 1], strides = [1, 1]} : vector<512x128xf32> to vector<512x1xf32>
    %slice3A_288 = vector.extract_strided_slice %get3A_31 {offsets = [39, 0], sizes = [1, 512], strides = [1, 1]} : vector<128x512xf32> to vector<1x512xf32>
    %min3A_289 = vector.broadcast %slice3A_287 : vector<512x1xf32> to vector<512x512xf32>
    %min3A_290 = vector.broadcast %slice3A_288 : vector<1x512xf32> to vector<512x512xf32>
    %min3A_291 = arith.minimumf %min3A_289, %min3A_290 : vector<512x512xf32>
    %add3A_292 = arith.addf %add3A_286, %min3A_291 : vector<512x512xf32>
    %slice3A_293 = vector.extract_strided_slice %get3A_1 {offsets = [0, 40], sizes = [512, 1], strides = [1, 1]} : vector<512x128xf32> to vector<512x1xf32>
    %slice3A_294 = vector.extract_strided_slice %get3A_31 {offsets = [40, 0], sizes = [1, 512], strides = [1, 1]} : vector<128x512xf32> to vector<1x512xf32>
    %min3A_295 = vector.broadcast %slice3A_293 : vector<512x1xf32> to vector<512x512xf32>
    %min3A_296 = vector.broadcast %slice3A_294 : vector<1x512xf32> to vector<512x512xf32>
    %min3A_297 = arith.minimumf %min3A_295, %min3A_296 : vector<512x512xf32>
    %add3A_298 = arith.addf %add3A_292, %min3A_297 : vector<512x512xf32>
    %slice3A_299 = vector.extract_strided_slice %get3A_1 {offsets = [0, 41], sizes = [512, 1], strides = [1, 1]} : vector<512x128xf32> to vector<512x1xf32>
    %slice3A_300 = vector.extract_strided_slice %get3A_31 {offsets = [41, 0], sizes = [1, 512], strides = [1, 1]} : vector<128x512xf32> to vector<1x512xf32>
    %min3A_301 = vector.broadcast %slice3A_299 : vector<512x1xf32> to vector<512x512xf32>
    %min3A_302 = vector.broadcast %slice3A_300 : vector<1x512xf32> to vector<512x512xf32>
    %min3A_303 = arith.minimumf %min3A_301, %min3A_302 : vector<512x512xf32>
    %add3A_304 = arith.addf %add3A_298, %min3A_303 : vector<512x512xf32>
    %slice3A_305 = vector.extract_strided_slice %get3A_1 {offsets = [0, 42], sizes = [512, 1], strides = [1, 1]} : vector<512x128xf32> to vector<512x1xf32>
    %slice3A_306 = vector.extract_strided_slice %get3A_31 {offsets = [42, 0], sizes = [1, 512], strides = [1, 1]} : vector<128x512xf32> to vector<1x512xf32>
    %min3A_307 = vector.broadcast %slice3A_305 : vector<512x1xf32> to vector<512x512xf32>
    %min3A_308 = vector.broadcast %slice3A_306 : vector<1x512xf32> to vector<512x512xf32>
    %min3A_309 = arith.minimumf %min3A_307, %min3A_308 : vector<512x512xf32>
    %add3A_310 = arith.addf %add3A_304, %min3A_309 : vector<512x512xf32>
    %slice3A_311 = vector.extract_strided_slice %get3A_1 {offsets = [0, 43], sizes = [512, 1], strides = [1, 1]} : vector<512x128xf32> to vector<512x1xf32>
    %slice3A_312 = vector.extract_strided_slice %get3A_31 {offsets = [43, 0], sizes = [1, 512], strides = [1, 1]} : vector<128x512xf32> to vector<1x512xf32>
    %min3A_313 = vector.broadcast %slice3A_311 : vector<512x1xf32> to vector<512x512xf32>
    %min3A_314 = vector.broadcast %slice3A_312 : vector<1x512xf32> to vector<512x512xf32>
    %min3A_315 = arith.minimumf %min3A_313, %min3A_314 : vector<512x512xf32>
    %add3A_316 = arith.addf %add3A_310, %min3A_315 : vector<512x512xf32>
    %slice3A_317 = vector.extract_strided_slice %get3A_1 {offsets = [0, 44], sizes = [512, 1], strides = [1, 1]} : vector<512x128xf32> to vector<512x1xf32>
    %slice3A_318 = vector.extract_strided_slice %get3A_31 {offsets = [44, 0], sizes = [1, 512], strides = [1, 1]} : vector<128x512xf32> to vector<1x512xf32>
    %min3A_319 = vector.broadcast %slice3A_317 : vector<512x1xf32> to vector<512x512xf32>
    %min3A_320 = vector.broadcast %slice3A_318 : vector<1x512xf32> to vector<512x512xf32>
    %min3A_321 = arith.minimumf %min3A_319, %min3A_320 : vector<512x512xf32>
    %add3A_322 = arith.addf %add3A_316, %min3A_321 : vector<512x512xf32>
    %slice3A_323 = vector.extract_strided_slice %get3A_1 {offsets = [0, 45], sizes = [512, 1], strides = [1, 1]} : vector<512x128xf32> to vector<512x1xf32>
    %slice3A_324 = vector.extract_strided_slice %get3A_31 {offsets = [45, 0], sizes = [1, 512], strides = [1, 1]} : vector<128x512xf32> to vector<1x512xf32>
    %min3A_325 = vector.broadcast %slice3A_323 : vector<512x1xf32> to vector<512x512xf32>
    %min3A_326 = vector.broadcast %slice3A_324 : vector<1x512xf32> to vector<512x512xf32>
    %min3A_327 = arith.minimumf %min3A_325, %min3A_326 : vector<512x512xf32>
    %add3A_328 = arith.addf %add3A_322, %min3A_327 : vector<512x512xf32>
    %slice3A_329 = vector.extract_strided_slice %get3A_1 {offsets = [0, 46], sizes = [512, 1], strides = [1, 1]} : vector<512x128xf32> to vector<512x1xf32>
    %slice3A_330 = vector.extract_strided_slice %get3A_31 {offsets = [46, 0], sizes = [1, 512], strides = [1, 1]} : vector<128x512xf32> to vector<1x512xf32>
    %min3A_331 = vector.broadcast %slice3A_329 : vector<512x1xf32> to vector<512x512xf32>
    %min3A_332 = vector.broadcast %slice3A_330 : vector<1x512xf32> to vector<512x512xf32>
    %min3A_333 = arith.minimumf %min3A_331, %min3A_332 : vector<512x512xf32>
    %add3A_334 = arith.addf %add3A_328, %min3A_333 : vector<512x512xf32>
    %slice3A_335 = vector.extract_strided_slice %get3A_1 {offsets = [0, 47], sizes = [512, 1], strides = [1, 1]} : vector<512x128xf32> to vector<512x1xf32>
    %slice3A_336 = vector.extract_strided_slice %get3A_31 {offsets = [47, 0], sizes = [1, 512], strides = [1, 1]} : vector<128x512xf32> to vector<1x512xf32>
    %min3A_337 = vector.broadcast %slice3A_335 : vector<512x1xf32> to vector<512x512xf32>
    %min3A_338 = vector.broadcast %slice3A_336 : vector<1x512xf32> to vector<512x512xf32>
    %min3A_339 = arith.minimumf %min3A_337, %min3A_338 : vector<512x512xf32>
    %add3A_340 = arith.addf %add3A_334, %min3A_339 : vector<512x512xf32>
    %slice3A_341 = vector.extract_strided_slice %get3A_1 {offsets = [0, 48], sizes = [512, 1], strides = [1, 1]} : vector<512x128xf32> to vector<512x1xf32>
    %slice3A_342 = vector.extract_strided_slice %get3A_31 {offsets = [48, 0], sizes = [1, 512], strides = [1, 1]} : vector<128x512xf32> to vector<1x512xf32>
    %min3A_343 = vector.broadcast %slice3A_341 : vector<512x1xf32> to vector<512x512xf32>
    %min3A_344 = vector.broadcast %slice3A_342 : vector<1x512xf32> to vector<512x512xf32>
    %min3A_345 = arith.minimumf %min3A_343, %min3A_344 : vector<512x512xf32>
    %add3A_346 = arith.addf %add3A_340, %min3A_345 : vector<512x512xf32>
    %slice3A_347 = vector.extract_strided_slice %get3A_1 {offsets = [0, 49], sizes = [512, 1], strides = [1, 1]} : vector<512x128xf32> to vector<512x1xf32>
    %slice3A_348 = vector.extract_strided_slice %get3A_31 {offsets = [49, 0], sizes = [1, 512], strides = [1, 1]} : vector<128x512xf32> to vector<1x512xf32>
    %min3A_349 = vector.broadcast %slice3A_347 : vector<512x1xf32> to vector<512x512xf32>
    %min3A_350 = vector.broadcast %slice3A_348 : vector<1x512xf32> to vector<512x512xf32>
    %min3A_351 = arith.minimumf %min3A_349, %min3A_350 : vector<512x512xf32>
    %add3A_352 = arith.addf %add3A_346, %min3A_351 : vector<512x512xf32>
    %slice3A_353 = vector.extract_strided_slice %get3A_1 {offsets = [0, 50], sizes = [512, 1], strides = [1, 1]} : vector<512x128xf32> to vector<512x1xf32>
    %slice3A_354 = vector.extract_strided_slice %get3A_31 {offsets = [50, 0], sizes = [1, 512], strides = [1, 1]} : vector<128x512xf32> to vector<1x512xf32>
    %min3A_355 = vector.broadcast %slice3A_353 : vector<512x1xf32> to vector<512x512xf32>
    %min3A_356 = vector.broadcast %slice3A_354 : vector<1x512xf32> to vector<512x512xf32>
    %min3A_357 = arith.minimumf %min3A_355, %min3A_356 : vector<512x512xf32>
    %add3A_358 = arith.addf %add3A_352, %min3A_357 : vector<512x512xf32>
    %slice3A_359 = vector.extract_strided_slice %get3A_1 {offsets = [0, 51], sizes = [512, 1], strides = [1, 1]} : vector<512x128xf32> to vector<512x1xf32>
    %slice3A_360 = vector.extract_strided_slice %get3A_31 {offsets = [51, 0], sizes = [1, 512], strides = [1, 1]} : vector<128x512xf32> to vector<1x512xf32>
    %min3A_361 = vector.broadcast %slice3A_359 : vector<512x1xf32> to vector<512x512xf32>
    %min3A_362 = vector.broadcast %slice3A_360 : vector<1x512xf32> to vector<512x512xf32>
    %min3A_363 = arith.minimumf %min3A_361, %min3A_362 : vector<512x512xf32>
    %add3A_364 = arith.addf %add3A_358, %min3A_363 : vector<512x512xf32>
    %slice3A_365 = vector.extract_strided_slice %get3A_1 {offsets = [0, 52], sizes = [512, 1], strides = [1, 1]} : vector<512x128xf32> to vector<512x1xf32>
    %slice3A_366 = vector.extract_strided_slice %get3A_31 {offsets = [52, 0], sizes = [1, 512], strides = [1, 1]} : vector<128x512xf32> to vector<1x512xf32>
    %min3A_367 = vector.broadcast %slice3A_365 : vector<512x1xf32> to vector<512x512xf32>
    %min3A_368 = vector.broadcast %slice3A_366 : vector<1x512xf32> to vector<512x512xf32>
    %min3A_369 = arith.minimumf %min3A_367, %min3A_368 : vector<512x512xf32>
    %add3A_370 = arith.addf %add3A_364, %min3A_369 : vector<512x512xf32>
    %slice3A_371 = vector.extract_strided_slice %get3A_1 {offsets = [0, 53], sizes = [512, 1], strides = [1, 1]} : vector<512x128xf32> to vector<512x1xf32>
    %slice3A_372 = vector.extract_strided_slice %get3A_31 {offsets = [53, 0], sizes = [1, 512], strides = [1, 1]} : vector<128x512xf32> to vector<1x512xf32>
    %min3A_373 = vector.broadcast %slice3A_371 : vector<512x1xf32> to vector<512x512xf32>
    %min3A_374 = vector.broadcast %slice3A_372 : vector<1x512xf32> to vector<512x512xf32>
    %min3A_375 = arith.minimumf %min3A_373, %min3A_374 : vector<512x512xf32>
    %add3A_376 = arith.addf %add3A_370, %min3A_375 : vector<512x512xf32>
    %slice3A_377 = vector.extract_strided_slice %get3A_1 {offsets = [0, 54], sizes = [512, 1], strides = [1, 1]} : vector<512x128xf32> to vector<512x1xf32>
    %slice3A_378 = vector.extract_strided_slice %get3A_31 {offsets = [54, 0], sizes = [1, 512], strides = [1, 1]} : vector<128x512xf32> to vector<1x512xf32>
    %min3A_379 = vector.broadcast %slice3A_377 : vector<512x1xf32> to vector<512x512xf32>
    %min3A_380 = vector.broadcast %slice3A_378 : vector<1x512xf32> to vector<512x512xf32>
    %min3A_381 = arith.minimumf %min3A_379, %min3A_380 : vector<512x512xf32>
    %add3A_382 = arith.addf %add3A_376, %min3A_381 : vector<512x512xf32>
    %slice3A_383 = vector.extract_strided_slice %get3A_1 {offsets = [0, 55], sizes = [512, 1], strides = [1, 1]} : vector<512x128xf32> to vector<512x1xf32>
    %slice3A_384 = vector.extract_strided_slice %get3A_31 {offsets = [55, 0], sizes = [1, 512], strides = [1, 1]} : vector<128x512xf32> to vector<1x512xf32>
    %min3A_385 = vector.broadcast %slice3A_383 : vector<512x1xf32> to vector<512x512xf32>
    %min3A_386 = vector.broadcast %slice3A_384 : vector<1x512xf32> to vector<512x512xf32>
    %min3A_387 = arith.minimumf %min3A_385, %min3A_386 : vector<512x512xf32>
    %add3A_388 = arith.addf %add3A_382, %min3A_387 : vector<512x512xf32>
    %slice3A_389 = vector.extract_strided_slice %get3A_1 {offsets = [0, 56], sizes = [512, 1], strides = [1, 1]} : vector<512x128xf32> to vector<512x1xf32>
    %slice3A_390 = vector.extract_strided_slice %get3A_31 {offsets = [56, 0], sizes = [1, 512], strides = [1, 1]} : vector<128x512xf32> to vector<1x512xf32>
    %min3A_391 = vector.broadcast %slice3A_389 : vector<512x1xf32> to vector<512x512xf32>
    %min3A_392 = vector.broadcast %slice3A_390 : vector<1x512xf32> to vector<512x512xf32>
    %min3A_393 = arith.minimumf %min3A_391, %min3A_392 : vector<512x512xf32>
    %add3A_394 = arith.addf %add3A_388, %min3A_393 : vector<512x512xf32>
    %slice3A_395 = vector.extract_strided_slice %get3A_1 {offsets = [0, 57], sizes = [512, 1], strides = [1, 1]} : vector<512x128xf32> to vector<512x1xf32>
    %slice3A_396 = vector.extract_strided_slice %get3A_31 {offsets = [57, 0], sizes = [1, 512], strides = [1, 1]} : vector<128x512xf32> to vector<1x512xf32>
    %min3A_397 = vector.broadcast %slice3A_395 : vector<512x1xf32> to vector<512x512xf32>
    %min3A_398 = vector.broadcast %slice3A_396 : vector<1x512xf32> to vector<512x512xf32>
    %min3A_399 = arith.minimumf %min3A_397, %min3A_398 : vector<512x512xf32>
    %add3A_400 = arith.addf %add3A_394, %min3A_399 : vector<512x512xf32>
    %slice3A_401 = vector.extract_strided_slice %get3A_1 {offsets = [0, 58], sizes = [512, 1], strides = [1, 1]} : vector<512x128xf32> to vector<512x1xf32>
    %slice3A_402 = vector.extract_strided_slice %get3A_31 {offsets = [58, 0], sizes = [1, 512], strides = [1, 1]} : vector<128x512xf32> to vector<1x512xf32>
    %min3A_403 = vector.broadcast %slice3A_401 : vector<512x1xf32> to vector<512x512xf32>
    %min3A_404 = vector.broadcast %slice3A_402 : vector<1x512xf32> to vector<512x512xf32>
    %min3A_405 = arith.minimumf %min3A_403, %min3A_404 : vector<512x512xf32>
    %add3A_406 = arith.addf %add3A_400, %min3A_405 : vector<512x512xf32>
    %slice3A_407 = vector.extract_strided_slice %get3A_1 {offsets = [0, 59], sizes = [512, 1], strides = [1, 1]} : vector<512x128xf32> to vector<512x1xf32>
    %slice3A_408 = vector.extract_strided_slice %get3A_31 {offsets = [59, 0], sizes = [1, 512], strides = [1, 1]} : vector<128x512xf32> to vector<1x512xf32>
    %min3A_409 = vector.broadcast %slice3A_407 : vector<512x1xf32> to vector<512x512xf32>
    %min3A_410 = vector.broadcast %slice3A_408 : vector<1x512xf32> to vector<512x512xf32>
    %min3A_411 = arith.minimumf %min3A_409, %min3A_410 : vector<512x512xf32>
    %add3A_412 = arith.addf %add3A_406, %min3A_411 : vector<512x512xf32>
    %slice3A_413 = vector.extract_strided_slice %get3A_1 {offsets = [0, 60], sizes = [512, 1], strides = [1, 1]} : vector<512x128xf32> to vector<512x1xf32>
    %slice3A_414 = vector.extract_strided_slice %get3A_31 {offsets = [60, 0], sizes = [1, 512], strides = [1, 1]} : vector<128x512xf32> to vector<1x512xf32>
    %min3A_415 = vector.broadcast %slice3A_413 : vector<512x1xf32> to vector<512x512xf32>
    %min3A_416 = vector.broadcast %slice3A_414 : vector<1x512xf32> to vector<512x512xf32>
    %min3A_417 = arith.minimumf %min3A_415, %min3A_416 : vector<512x512xf32>
    %add3A_418 = arith.addf %add3A_412, %min3A_417 : vector<512x512xf32>
    %slice3A_419 = vector.extract_strided_slice %get3A_1 {offsets = [0, 61], sizes = [512, 1], strides = [1, 1]} : vector<512x128xf32> to vector<512x1xf32>
    %slice3A_420 = vector.extract_strided_slice %get3A_31 {offsets = [61, 0], sizes = [1, 512], strides = [1, 1]} : vector<128x512xf32> to vector<1x512xf32>
    %min3A_421 = vector.broadcast %slice3A_419 : vector<512x1xf32> to vector<512x512xf32>
    %min3A_422 = vector.broadcast %slice3A_420 : vector<1x512xf32> to vector<512x512xf32>
    %min3A_423 = arith.minimumf %min3A_421, %min3A_422 : vector<512x512xf32>
    %add3A_424 = arith.addf %add3A_418, %min3A_423 : vector<512x512xf32>
    %slice3A_425 = vector.extract_strided_slice %get3A_1 {offsets = [0, 62], sizes = [512, 1], strides = [1, 1]} : vector<512x128xf32> to vector<512x1xf32>
    %slice3A_426 = vector.extract_strided_slice %get3A_31 {offsets = [62, 0], sizes = [1, 512], strides = [1, 1]} : vector<128x512xf32> to vector<1x512xf32>
    %min3A_427 = vector.broadcast %slice3A_425 : vector<512x1xf32> to vector<512x512xf32>
    %min3A_428 = vector.broadcast %slice3A_426 : vector<1x512xf32> to vector<512x512xf32>
    %min3A_429 = arith.minimumf %min3A_427, %min3A_428 : vector<512x512xf32>
    %add3A_430 = arith.addf %add3A_424, %min3A_429 : vector<512x512xf32>
    %slice3A_431 = vector.extract_strided_slice %get3A_1 {offsets = [0, 63], sizes = [512, 1], strides = [1, 1]} : vector<512x128xf32> to vector<512x1xf32>
    %slice3A_432 = vector.extract_strided_slice %get3A_31 {offsets = [63, 0], sizes = [1, 512], strides = [1, 1]} : vector<128x512xf32> to vector<1x512xf32>
    %min3A_433 = vector.broadcast %slice3A_431 : vector<512x1xf32> to vector<512x512xf32>
    %min3A_434 = vector.broadcast %slice3A_432 : vector<1x512xf32> to vector<512x512xf32>
    %min3A_435 = arith.minimumf %min3A_433, %min3A_434 : vector<512x512xf32>
    %add3A_436 = arith.addf %add3A_430, %min3A_435 : vector<512x512xf32>
    %slice3A_437 = vector.extract_strided_slice %get3A_1 {offsets = [0, 64], sizes = [512, 1], strides = [1, 1]} : vector<512x128xf32> to vector<512x1xf32>
    %slice3A_438 = vector.extract_strided_slice %get3A_31 {offsets = [64, 0], sizes = [1, 512], strides = [1, 1]} : vector<128x512xf32> to vector<1x512xf32>
    %min3A_439 = vector.broadcast %slice3A_437 : vector<512x1xf32> to vector<512x512xf32>
    %min3A_440 = vector.broadcast %slice3A_438 : vector<1x512xf32> to vector<512x512xf32>
    %min3A_441 = arith.minimumf %min3A_439, %min3A_440 : vector<512x512xf32>
    %add3A_442 = arith.addf %add3A_436, %min3A_441 : vector<512x512xf32>
    %slice3A_443 = vector.extract_strided_slice %get3A_1 {offsets = [0, 65], sizes = [512, 1], strides = [1, 1]} : vector<512x128xf32> to vector<512x1xf32>
    %slice3A_444 = vector.extract_strided_slice %get3A_31 {offsets = [65, 0], sizes = [1, 512], strides = [1, 1]} : vector<128x512xf32> to vector<1x512xf32>
    %min3A_445 = vector.broadcast %slice3A_443 : vector<512x1xf32> to vector<512x512xf32>
    %min3A_446 = vector.broadcast %slice3A_444 : vector<1x512xf32> to vector<512x512xf32>
    %min3A_447 = arith.minimumf %min3A_445, %min3A_446 : vector<512x512xf32>
    %add3A_448 = arith.addf %add3A_442, %min3A_447 : vector<512x512xf32>
    %slice3A_449 = vector.extract_strided_slice %get3A_1 {offsets = [0, 66], sizes = [512, 1], strides = [1, 1]} : vector<512x128xf32> to vector<512x1xf32>
    %slice3A_450 = vector.extract_strided_slice %get3A_31 {offsets = [66, 0], sizes = [1, 512], strides = [1, 1]} : vector<128x512xf32> to vector<1x512xf32>
    %min3A_451 = vector.broadcast %slice3A_449 : vector<512x1xf32> to vector<512x512xf32>
    %min3A_452 = vector.broadcast %slice3A_450 : vector<1x512xf32> to vector<512x512xf32>
    %min3A_453 = arith.minimumf %min3A_451, %min3A_452 : vector<512x512xf32>
    %add3A_454 = arith.addf %add3A_448, %min3A_453 : vector<512x512xf32>
    %slice3A_455 = vector.extract_strided_slice %get3A_1 {offsets = [0, 67], sizes = [512, 1], strides = [1, 1]} : vector<512x128xf32> to vector<512x1xf32>
    %slice3A_456 = vector.extract_strided_slice %get3A_31 {offsets = [67, 0], sizes = [1, 512], strides = [1, 1]} : vector<128x512xf32> to vector<1x512xf32>
    %min3A_457 = vector.broadcast %slice3A_455 : vector<512x1xf32> to vector<512x512xf32>
    %min3A_458 = vector.broadcast %slice3A_456 : vector<1x512xf32> to vector<512x512xf32>
    %min3A_459 = arith.minimumf %min3A_457, %min3A_458 : vector<512x512xf32>
    %add3A_460 = arith.addf %add3A_454, %min3A_459 : vector<512x512xf32>
    %slice3A_461 = vector.extract_strided_slice %get3A_1 {offsets = [0, 68], sizes = [512, 1], strides = [1, 1]} : vector<512x128xf32> to vector<512x1xf32>
    %slice3A_462 = vector.extract_strided_slice %get3A_31 {offsets = [68, 0], sizes = [1, 512], strides = [1, 1]} : vector<128x512xf32> to vector<1x512xf32>
    %min3A_463 = vector.broadcast %slice3A_461 : vector<512x1xf32> to vector<512x512xf32>
    %min3A_464 = vector.broadcast %slice3A_462 : vector<1x512xf32> to vector<512x512xf32>
    %min3A_465 = arith.minimumf %min3A_463, %min3A_464 : vector<512x512xf32>
    %add3A_466 = arith.addf %add3A_460, %min3A_465 : vector<512x512xf32>
    %slice3A_467 = vector.extract_strided_slice %get3A_1 {offsets = [0, 69], sizes = [512, 1], strides = [1, 1]} : vector<512x128xf32> to vector<512x1xf32>
    %slice3A_468 = vector.extract_strided_slice %get3A_31 {offsets = [69, 0], sizes = [1, 512], strides = [1, 1]} : vector<128x512xf32> to vector<1x512xf32>
    %min3A_469 = vector.broadcast %slice3A_467 : vector<512x1xf32> to vector<512x512xf32>
    %min3A_470 = vector.broadcast %slice3A_468 : vector<1x512xf32> to vector<512x512xf32>
    %min3A_471 = arith.minimumf %min3A_469, %min3A_470 : vector<512x512xf32>
    %add3A_472 = arith.addf %add3A_466, %min3A_471 : vector<512x512xf32>
    %slice3A_473 = vector.extract_strided_slice %get3A_1 {offsets = [0, 70], sizes = [512, 1], strides = [1, 1]} : vector<512x128xf32> to vector<512x1xf32>
    %slice3A_474 = vector.extract_strided_slice %get3A_31 {offsets = [70, 0], sizes = [1, 512], strides = [1, 1]} : vector<128x512xf32> to vector<1x512xf32>
    %min3A_475 = vector.broadcast %slice3A_473 : vector<512x1xf32> to vector<512x512xf32>
    %min3A_476 = vector.broadcast %slice3A_474 : vector<1x512xf32> to vector<512x512xf32>
    %min3A_477 = arith.minimumf %min3A_475, %min3A_476 : vector<512x512xf32>
    %add3A_478 = arith.addf %add3A_472, %min3A_477 : vector<512x512xf32>
    %slice3A_479 = vector.extract_strided_slice %get3A_1 {offsets = [0, 71], sizes = [512, 1], strides = [1, 1]} : vector<512x128xf32> to vector<512x1xf32>
    %slice3A_480 = vector.extract_strided_slice %get3A_31 {offsets = [71, 0], sizes = [1, 512], strides = [1, 1]} : vector<128x512xf32> to vector<1x512xf32>
    %min3A_481 = vector.broadcast %slice3A_479 : vector<512x1xf32> to vector<512x512xf32>
    %min3A_482 = vector.broadcast %slice3A_480 : vector<1x512xf32> to vector<512x512xf32>
    %min3A_483 = arith.minimumf %min3A_481, %min3A_482 : vector<512x512xf32>
    %add3A_484 = arith.addf %add3A_478, %min3A_483 : vector<512x512xf32>
    %slice3A_485 = vector.extract_strided_slice %get3A_1 {offsets = [0, 72], sizes = [512, 1], strides = [1, 1]} : vector<512x128xf32> to vector<512x1xf32>
    %slice3A_486 = vector.extract_strided_slice %get3A_31 {offsets = [72, 0], sizes = [1, 512], strides = [1, 1]} : vector<128x512xf32> to vector<1x512xf32>
    %min3A_487 = vector.broadcast %slice3A_485 : vector<512x1xf32> to vector<512x512xf32>
    %min3A_488 = vector.broadcast %slice3A_486 : vector<1x512xf32> to vector<512x512xf32>
    %min3A_489 = arith.minimumf %min3A_487, %min3A_488 : vector<512x512xf32>
    %add3A_490 = arith.addf %add3A_484, %min3A_489 : vector<512x512xf32>
    %slice3A_491 = vector.extract_strided_slice %get3A_1 {offsets = [0, 73], sizes = [512, 1], strides = [1, 1]} : vector<512x128xf32> to vector<512x1xf32>
    %slice3A_492 = vector.extract_strided_slice %get3A_31 {offsets = [73, 0], sizes = [1, 512], strides = [1, 1]} : vector<128x512xf32> to vector<1x512xf32>
    %min3A_493 = vector.broadcast %slice3A_491 : vector<512x1xf32> to vector<512x512xf32>
    %min3A_494 = vector.broadcast %slice3A_492 : vector<1x512xf32> to vector<512x512xf32>
    %min3A_495 = arith.minimumf %min3A_493, %min3A_494 : vector<512x512xf32>
    %add3A_496 = arith.addf %add3A_490, %min3A_495 : vector<512x512xf32>
    %slice3A_497 = vector.extract_strided_slice %get3A_1 {offsets = [0, 74], sizes = [512, 1], strides = [1, 1]} : vector<512x128xf32> to vector<512x1xf32>
    %slice3A_498 = vector.extract_strided_slice %get3A_31 {offsets = [74, 0], sizes = [1, 512], strides = [1, 1]} : vector<128x512xf32> to vector<1x512xf32>
    %min3A_499 = vector.broadcast %slice3A_497 : vector<512x1xf32> to vector<512x512xf32>
    %min3A_500 = vector.broadcast %slice3A_498 : vector<1x512xf32> to vector<512x512xf32>
    %min3A_501 = arith.minimumf %min3A_499, %min3A_500 : vector<512x512xf32>
    %add3A_502 = arith.addf %add3A_496, %min3A_501 : vector<512x512xf32>
    %slice3A_503 = vector.extract_strided_slice %get3A_1 {offsets = [0, 75], sizes = [512, 1], strides = [1, 1]} : vector<512x128xf32> to vector<512x1xf32>
    %slice3A_504 = vector.extract_strided_slice %get3A_31 {offsets = [75, 0], sizes = [1, 512], strides = [1, 1]} : vector<128x512xf32> to vector<1x512xf32>
    %min3A_505 = vector.broadcast %slice3A_503 : vector<512x1xf32> to vector<512x512xf32>
    %min3A_506 = vector.broadcast %slice3A_504 : vector<1x512xf32> to vector<512x512xf32>
    %min3A_507 = arith.minimumf %min3A_505, %min3A_506 : vector<512x512xf32>
    %add3A_508 = arith.addf %add3A_502, %min3A_507 : vector<512x512xf32>
    %slice3A_509 = vector.extract_strided_slice %get3A_1 {offsets = [0, 76], sizes = [512, 1], strides = [1, 1]} : vector<512x128xf32> to vector<512x1xf32>
    %slice3A_510 = vector.extract_strided_slice %get3A_31 {offsets = [76, 0], sizes = [1, 512], strides = [1, 1]} : vector<128x512xf32> to vector<1x512xf32>
    %min3A_511 = vector.broadcast %slice3A_509 : vector<512x1xf32> to vector<512x512xf32>
    %min3A_512 = vector.broadcast %slice3A_510 : vector<1x512xf32> to vector<512x512xf32>
    %min3A_513 = arith.minimumf %min3A_511, %min3A_512 : vector<512x512xf32>
    %add3A_514 = arith.addf %add3A_508, %min3A_513 : vector<512x512xf32>
    %slice3A_515 = vector.extract_strided_slice %get3A_1 {offsets = [0, 77], sizes = [512, 1], strides = [1, 1]} : vector<512x128xf32> to vector<512x1xf32>
    %slice3A_516 = vector.extract_strided_slice %get3A_31 {offsets = [77, 0], sizes = [1, 512], strides = [1, 1]} : vector<128x512xf32> to vector<1x512xf32>
    %min3A_517 = vector.broadcast %slice3A_515 : vector<512x1xf32> to vector<512x512xf32>
    %min3A_518 = vector.broadcast %slice3A_516 : vector<1x512xf32> to vector<512x512xf32>
    %min3A_519 = arith.minimumf %min3A_517, %min3A_518 : vector<512x512xf32>
    %add3A_520 = arith.addf %add3A_514, %min3A_519 : vector<512x512xf32>
    %slice3A_521 = vector.extract_strided_slice %get3A_1 {offsets = [0, 78], sizes = [512, 1], strides = [1, 1]} : vector<512x128xf32> to vector<512x1xf32>
    %slice3A_522 = vector.extract_strided_slice %get3A_31 {offsets = [78, 0], sizes = [1, 512], strides = [1, 1]} : vector<128x512xf32> to vector<1x512xf32>
    %min3A_523 = vector.broadcast %slice3A_521 : vector<512x1xf32> to vector<512x512xf32>
    %min3A_524 = vector.broadcast %slice3A_522 : vector<1x512xf32> to vector<512x512xf32>
    %min3A_525 = arith.minimumf %min3A_523, %min3A_524 : vector<512x512xf32>
    %add3A_526 = arith.addf %add3A_520, %min3A_525 : vector<512x512xf32>
    %slice3A_527 = vector.extract_strided_slice %get3A_1 {offsets = [0, 79], sizes = [512, 1], strides = [1, 1]} : vector<512x128xf32> to vector<512x1xf32>
    %slice3A_528 = vector.extract_strided_slice %get3A_31 {offsets = [79, 0], sizes = [1, 512], strides = [1, 1]} : vector<128x512xf32> to vector<1x512xf32>
    %min3A_529 = vector.broadcast %slice3A_527 : vector<512x1xf32> to vector<512x512xf32>
    %min3A_530 = vector.broadcast %slice3A_528 : vector<1x512xf32> to vector<512x512xf32>
    %min3A_531 = arith.minimumf %min3A_529, %min3A_530 : vector<512x512xf32>
    %add3A_532 = arith.addf %add3A_526, %min3A_531 : vector<512x512xf32>
    %slice3A_533 = vector.extract_strided_slice %get3A_1 {offsets = [0, 80], sizes = [512, 1], strides = [1, 1]} : vector<512x128xf32> to vector<512x1xf32>
    %slice3A_534 = vector.extract_strided_slice %get3A_31 {offsets = [80, 0], sizes = [1, 512], strides = [1, 1]} : vector<128x512xf32> to vector<1x512xf32>
    %min3A_535 = vector.broadcast %slice3A_533 : vector<512x1xf32> to vector<512x512xf32>
    %min3A_536 = vector.broadcast %slice3A_534 : vector<1x512xf32> to vector<512x512xf32>
    %min3A_537 = arith.minimumf %min3A_535, %min3A_536 : vector<512x512xf32>
    %add3A_538 = arith.addf %add3A_532, %min3A_537 : vector<512x512xf32>
    %slice3A_539 = vector.extract_strided_slice %get3A_1 {offsets = [0, 81], sizes = [512, 1], strides = [1, 1]} : vector<512x128xf32> to vector<512x1xf32>
    %slice3A_540 = vector.extract_strided_slice %get3A_31 {offsets = [81, 0], sizes = [1, 512], strides = [1, 1]} : vector<128x512xf32> to vector<1x512xf32>
    %min3A_541 = vector.broadcast %slice3A_539 : vector<512x1xf32> to vector<512x512xf32>
    %min3A_542 = vector.broadcast %slice3A_540 : vector<1x512xf32> to vector<512x512xf32>
    %min3A_543 = arith.minimumf %min3A_541, %min3A_542 : vector<512x512xf32>
    %add3A_544 = arith.addf %add3A_538, %min3A_543 : vector<512x512xf32>
    %slice3A_545 = vector.extract_strided_slice %get3A_1 {offsets = [0, 82], sizes = [512, 1], strides = [1, 1]} : vector<512x128xf32> to vector<512x1xf32>
    %slice3A_546 = vector.extract_strided_slice %get3A_31 {offsets = [82, 0], sizes = [1, 512], strides = [1, 1]} : vector<128x512xf32> to vector<1x512xf32>
    %min3A_547 = vector.broadcast %slice3A_545 : vector<512x1xf32> to vector<512x512xf32>
    %min3A_548 = vector.broadcast %slice3A_546 : vector<1x512xf32> to vector<512x512xf32>
    %min3A_549 = arith.minimumf %min3A_547, %min3A_548 : vector<512x512xf32>
    %add3A_550 = arith.addf %add3A_544, %min3A_549 : vector<512x512xf32>
    %slice3A_551 = vector.extract_strided_slice %get3A_1 {offsets = [0, 83], sizes = [512, 1], strides = [1, 1]} : vector<512x128xf32> to vector<512x1xf32>
    %slice3A_552 = vector.extract_strided_slice %get3A_31 {offsets = [83, 0], sizes = [1, 512], strides = [1, 1]} : vector<128x512xf32> to vector<1x512xf32>
    %min3A_553 = vector.broadcast %slice3A_551 : vector<512x1xf32> to vector<512x512xf32>
    %min3A_554 = vector.broadcast %slice3A_552 : vector<1x512xf32> to vector<512x512xf32>
    %min3A_555 = arith.minimumf %min3A_553, %min3A_554 : vector<512x512xf32>
    %add3A_556 = arith.addf %add3A_550, %min3A_555 : vector<512x512xf32>
    %slice3A_557 = vector.extract_strided_slice %get3A_1 {offsets = [0, 84], sizes = [512, 1], strides = [1, 1]} : vector<512x128xf32> to vector<512x1xf32>
    %slice3A_558 = vector.extract_strided_slice %get3A_31 {offsets = [84, 0], sizes = [1, 512], strides = [1, 1]} : vector<128x512xf32> to vector<1x512xf32>
    %min3A_559 = vector.broadcast %slice3A_557 : vector<512x1xf32> to vector<512x512xf32>
    %min3A_560 = vector.broadcast %slice3A_558 : vector<1x512xf32> to vector<512x512xf32>
    %min3A_561 = arith.minimumf %min3A_559, %min3A_560 : vector<512x512xf32>
    %add3A_562 = arith.addf %add3A_556, %min3A_561 : vector<512x512xf32>
    %slice3A_563 = vector.extract_strided_slice %get3A_1 {offsets = [0, 85], sizes = [512, 1], strides = [1, 1]} : vector<512x128xf32> to vector<512x1xf32>
    %slice3A_564 = vector.extract_strided_slice %get3A_31 {offsets = [85, 0], sizes = [1, 512], strides = [1, 1]} : vector<128x512xf32> to vector<1x512xf32>
    %min3A_565 = vector.broadcast %slice3A_563 : vector<512x1xf32> to vector<512x512xf32>
    %min3A_566 = vector.broadcast %slice3A_564 : vector<1x512xf32> to vector<512x512xf32>
    %min3A_567 = arith.minimumf %min3A_565, %min3A_566 : vector<512x512xf32>
    %add3A_568 = arith.addf %add3A_562, %min3A_567 : vector<512x512xf32>
    %slice3A_569 = vector.extract_strided_slice %get3A_1 {offsets = [0, 86], sizes = [512, 1], strides = [1, 1]} : vector<512x128xf32> to vector<512x1xf32>
    %slice3A_570 = vector.extract_strided_slice %get3A_31 {offsets = [86, 0], sizes = [1, 512], strides = [1, 1]} : vector<128x512xf32> to vector<1x512xf32>
    %min3A_571 = vector.broadcast %slice3A_569 : vector<512x1xf32> to vector<512x512xf32>
    %min3A_572 = vector.broadcast %slice3A_570 : vector<1x512xf32> to vector<512x512xf32>
    %min3A_573 = arith.minimumf %min3A_571, %min3A_572 : vector<512x512xf32>
    %add3A_574 = arith.addf %add3A_568, %min3A_573 : vector<512x512xf32>
    %slice3A_575 = vector.extract_strided_slice %get3A_1 {offsets = [0, 87], sizes = [512, 1], strides = [1, 1]} : vector<512x128xf32> to vector<512x1xf32>
    %slice3A_576 = vector.extract_strided_slice %get3A_31 {offsets = [87, 0], sizes = [1, 512], strides = [1, 1]} : vector<128x512xf32> to vector<1x512xf32>
    %min3A_577 = vector.broadcast %slice3A_575 : vector<512x1xf32> to vector<512x512xf32>
    %min3A_578 = vector.broadcast %slice3A_576 : vector<1x512xf32> to vector<512x512xf32>
    %min3A_579 = arith.minimumf %min3A_577, %min3A_578 : vector<512x512xf32>
    %add3A_580 = arith.addf %add3A_574, %min3A_579 : vector<512x512xf32>
    %slice3A_581 = vector.extract_strided_slice %get3A_1 {offsets = [0, 88], sizes = [512, 1], strides = [1, 1]} : vector<512x128xf32> to vector<512x1xf32>
    %slice3A_582 = vector.extract_strided_slice %get3A_31 {offsets = [88, 0], sizes = [1, 512], strides = [1, 1]} : vector<128x512xf32> to vector<1x512xf32>
    %min3A_583 = vector.broadcast %slice3A_581 : vector<512x1xf32> to vector<512x512xf32>
    %min3A_584 = vector.broadcast %slice3A_582 : vector<1x512xf32> to vector<512x512xf32>
    %min3A_585 = arith.minimumf %min3A_583, %min3A_584 : vector<512x512xf32>
    %add3A_586 = arith.addf %add3A_580, %min3A_585 : vector<512x512xf32>
    %slice3A_587 = vector.extract_strided_slice %get3A_1 {offsets = [0, 89], sizes = [512, 1], strides = [1, 1]} : vector<512x128xf32> to vector<512x1xf32>
    %slice3A_588 = vector.extract_strided_slice %get3A_31 {offsets = [89, 0], sizes = [1, 512], strides = [1, 1]} : vector<128x512xf32> to vector<1x512xf32>
    %min3A_589 = vector.broadcast %slice3A_587 : vector<512x1xf32> to vector<512x512xf32>
    %min3A_590 = vector.broadcast %slice3A_588 : vector<1x512xf32> to vector<512x512xf32>
    %min3A_591 = arith.minimumf %min3A_589, %min3A_590 : vector<512x512xf32>
    %add3A_592 = arith.addf %add3A_586, %min3A_591 : vector<512x512xf32>
    %slice3A_593 = vector.extract_strided_slice %get3A_1 {offsets = [0, 90], sizes = [512, 1], strides = [1, 1]} : vector<512x128xf32> to vector<512x1xf32>
    %slice3A_594 = vector.extract_strided_slice %get3A_31 {offsets = [90, 0], sizes = [1, 512], strides = [1, 1]} : vector<128x512xf32> to vector<1x512xf32>
    %min3A_595 = vector.broadcast %slice3A_593 : vector<512x1xf32> to vector<512x512xf32>
    %min3A_596 = vector.broadcast %slice3A_594 : vector<1x512xf32> to vector<512x512xf32>
    %min3A_597 = arith.minimumf %min3A_595, %min3A_596 : vector<512x512xf32>
    %add3A_598 = arith.addf %add3A_592, %min3A_597 : vector<512x512xf32>
    %slice3A_599 = vector.extract_strided_slice %get3A_1 {offsets = [0, 91], sizes = [512, 1], strides = [1, 1]} : vector<512x128xf32> to vector<512x1xf32>
    %slice3A_600 = vector.extract_strided_slice %get3A_31 {offsets = [91, 0], sizes = [1, 512], strides = [1, 1]} : vector<128x512xf32> to vector<1x512xf32>
    %min3A_601 = vector.broadcast %slice3A_599 : vector<512x1xf32> to vector<512x512xf32>
    %min3A_602 = vector.broadcast %slice3A_600 : vector<1x512xf32> to vector<512x512xf32>
    %min3A_603 = arith.minimumf %min3A_601, %min3A_602 : vector<512x512xf32>
    %add3A_604 = arith.addf %add3A_598, %min3A_603 : vector<512x512xf32>
    %slice3A_605 = vector.extract_strided_slice %get3A_1 {offsets = [0, 92], sizes = [512, 1], strides = [1, 1]} : vector<512x128xf32> to vector<512x1xf32>
    %slice3A_606 = vector.extract_strided_slice %get3A_31 {offsets = [92, 0], sizes = [1, 512], strides = [1, 1]} : vector<128x512xf32> to vector<1x512xf32>
    %min3A_607 = vector.broadcast %slice3A_605 : vector<512x1xf32> to vector<512x512xf32>
    %min3A_608 = vector.broadcast %slice3A_606 : vector<1x512xf32> to vector<512x512xf32>
    %min3A_609 = arith.minimumf %min3A_607, %min3A_608 : vector<512x512xf32>
    %add3A_610 = arith.addf %add3A_604, %min3A_609 : vector<512x512xf32>
    %slice3A_611 = vector.extract_strided_slice %get3A_1 {offsets = [0, 93], sizes = [512, 1], strides = [1, 1]} : vector<512x128xf32> to vector<512x1xf32>
    %slice3A_612 = vector.extract_strided_slice %get3A_31 {offsets = [93, 0], sizes = [1, 512], strides = [1, 1]} : vector<128x512xf32> to vector<1x512xf32>
    %min3A_613 = vector.broadcast %slice3A_611 : vector<512x1xf32> to vector<512x512xf32>
    %min3A_614 = vector.broadcast %slice3A_612 : vector<1x512xf32> to vector<512x512xf32>
    %min3A_615 = arith.minimumf %min3A_613, %min3A_614 : vector<512x512xf32>
    %add3A_616 = arith.addf %add3A_610, %min3A_615 : vector<512x512xf32>
    %slice3A_617 = vector.extract_strided_slice %get3A_1 {offsets = [0, 94], sizes = [512, 1], strides = [1, 1]} : vector<512x128xf32> to vector<512x1xf32>
    %slice3A_618 = vector.extract_strided_slice %get3A_31 {offsets = [94, 0], sizes = [1, 512], strides = [1, 1]} : vector<128x512xf32> to vector<1x512xf32>
    %min3A_619 = vector.broadcast %slice3A_617 : vector<512x1xf32> to vector<512x512xf32>
    %min3A_620 = vector.broadcast %slice3A_618 : vector<1x512xf32> to vector<512x512xf32>
    %min3A_621 = arith.minimumf %min3A_619, %min3A_620 : vector<512x512xf32>
    %add3A_622 = arith.addf %add3A_616, %min3A_621 : vector<512x512xf32>
    %slice3A_623 = vector.extract_strided_slice %get3A_1 {offsets = [0, 95], sizes = [512, 1], strides = [1, 1]} : vector<512x128xf32> to vector<512x1xf32>
    %slice3A_624 = vector.extract_strided_slice %get3A_31 {offsets = [95, 0], sizes = [1, 512], strides = [1, 1]} : vector<128x512xf32> to vector<1x512xf32>
    %min3A_625 = vector.broadcast %slice3A_623 : vector<512x1xf32> to vector<512x512xf32>
    %min3A_626 = vector.broadcast %slice3A_624 : vector<1x512xf32> to vector<512x512xf32>
    %min3A_627 = arith.minimumf %min3A_625, %min3A_626 : vector<512x512xf32>
    %add3A_628 = arith.addf %add3A_622, %min3A_627 : vector<512x512xf32>
    %slice3A_629 = vector.extract_strided_slice %get3A_1 {offsets = [0, 96], sizes = [512, 1], strides = [1, 1]} : vector<512x128xf32> to vector<512x1xf32>
    %slice3A_630 = vector.extract_strided_slice %get3A_31 {offsets = [96, 0], sizes = [1, 512], strides = [1, 1]} : vector<128x512xf32> to vector<1x512xf32>
    %min3A_631 = vector.broadcast %slice3A_629 : vector<512x1xf32> to vector<512x512xf32>
    %min3A_632 = vector.broadcast %slice3A_630 : vector<1x512xf32> to vector<512x512xf32>
    %min3A_633 = arith.minimumf %min3A_631, %min3A_632 : vector<512x512xf32>
    %add3A_634 = arith.addf %add3A_628, %min3A_633 : vector<512x512xf32>
    %slice3A_635 = vector.extract_strided_slice %get3A_1 {offsets = [0, 97], sizes = [512, 1], strides = [1, 1]} : vector<512x128xf32> to vector<512x1xf32>
    %slice3A_636 = vector.extract_strided_slice %get3A_31 {offsets = [97, 0], sizes = [1, 512], strides = [1, 1]} : vector<128x512xf32> to vector<1x512xf32>
    %min3A_637 = vector.broadcast %slice3A_635 : vector<512x1xf32> to vector<512x512xf32>
    %min3A_638 = vector.broadcast %slice3A_636 : vector<1x512xf32> to vector<512x512xf32>
    %min3A_639 = arith.minimumf %min3A_637, %min3A_638 : vector<512x512xf32>
    %add3A_640 = arith.addf %add3A_634, %min3A_639 : vector<512x512xf32>
    %slice3A_641 = vector.extract_strided_slice %get3A_1 {offsets = [0, 98], sizes = [512, 1], strides = [1, 1]} : vector<512x128xf32> to vector<512x1xf32>
    %slice3A_642 = vector.extract_strided_slice %get3A_31 {offsets = [98, 0], sizes = [1, 512], strides = [1, 1]} : vector<128x512xf32> to vector<1x512xf32>
    %min3A_643 = vector.broadcast %slice3A_641 : vector<512x1xf32> to vector<512x512xf32>
    %min3A_644 = vector.broadcast %slice3A_642 : vector<1x512xf32> to vector<512x512xf32>
    %min3A_645 = arith.minimumf %min3A_643, %min3A_644 : vector<512x512xf32>
    %add3A_646 = arith.addf %add3A_640, %min3A_645 : vector<512x512xf32>
    %slice3A_647 = vector.extract_strided_slice %get3A_1 {offsets = [0, 99], sizes = [512, 1], strides = [1, 1]} : vector<512x128xf32> to vector<512x1xf32>
    %slice3A_648 = vector.extract_strided_slice %get3A_31 {offsets = [99, 0], sizes = [1, 512], strides = [1, 1]} : vector<128x512xf32> to vector<1x512xf32>
    %min3A_649 = vector.broadcast %slice3A_647 : vector<512x1xf32> to vector<512x512xf32>
    %min3A_650 = vector.broadcast %slice3A_648 : vector<1x512xf32> to vector<512x512xf32>
    %min3A_651 = arith.minimumf %min3A_649, %min3A_650 : vector<512x512xf32>
    %add3A_652 = arith.addf %add3A_646, %min3A_651 : vector<512x512xf32>
    %slice3A_653 = vector.extract_strided_slice %get3A_1 {offsets = [0, 100], sizes = [512, 1], strides = [1, 1]} : vector<512x128xf32> to vector<512x1xf32>
    %slice3A_654 = vector.extract_strided_slice %get3A_31 {offsets = [100, 0], sizes = [1, 512], strides = [1, 1]} : vector<128x512xf32> to vector<1x512xf32>
    %min3A_655 = vector.broadcast %slice3A_653 : vector<512x1xf32> to vector<512x512xf32>
    %min3A_656 = vector.broadcast %slice3A_654 : vector<1x512xf32> to vector<512x512xf32>
    %min3A_657 = arith.minimumf %min3A_655, %min3A_656 : vector<512x512xf32>
    %add3A_658 = arith.addf %add3A_652, %min3A_657 : vector<512x512xf32>
    %slice3A_659 = vector.extract_strided_slice %get3A_1 {offsets = [0, 101], sizes = [512, 1], strides = [1, 1]} : vector<512x128xf32> to vector<512x1xf32>
    %slice3A_660 = vector.extract_strided_slice %get3A_31 {offsets = [101, 0], sizes = [1, 512], strides = [1, 1]} : vector<128x512xf32> to vector<1x512xf32>
    %min3A_661 = vector.broadcast %slice3A_659 : vector<512x1xf32> to vector<512x512xf32>
    %min3A_662 = vector.broadcast %slice3A_660 : vector<1x512xf32> to vector<512x512xf32>
    %min3A_663 = arith.minimumf %min3A_661, %min3A_662 : vector<512x512xf32>
    %add3A_664 = arith.addf %add3A_658, %min3A_663 : vector<512x512xf32>
    %slice3A_665 = vector.extract_strided_slice %get3A_1 {offsets = [0, 102], sizes = [512, 1], strides = [1, 1]} : vector<512x128xf32> to vector<512x1xf32>
    %slice3A_666 = vector.extract_strided_slice %get3A_31 {offsets = [102, 0], sizes = [1, 512], strides = [1, 1]} : vector<128x512xf32> to vector<1x512xf32>
    %min3A_667 = vector.broadcast %slice3A_665 : vector<512x1xf32> to vector<512x512xf32>
    %min3A_668 = vector.broadcast %slice3A_666 : vector<1x512xf32> to vector<512x512xf32>
    %min3A_669 = arith.minimumf %min3A_667, %min3A_668 : vector<512x512xf32>
    %add3A_670 = arith.addf %add3A_664, %min3A_669 : vector<512x512xf32>
    %slice3A_671 = vector.extract_strided_slice %get3A_1 {offsets = [0, 103], sizes = [512, 1], strides = [1, 1]} : vector<512x128xf32> to vector<512x1xf32>
    %slice3A_672 = vector.extract_strided_slice %get3A_31 {offsets = [103, 0], sizes = [1, 512], strides = [1, 1]} : vector<128x512xf32> to vector<1x512xf32>
    %min3A_673 = vector.broadcast %slice3A_671 : vector<512x1xf32> to vector<512x512xf32>
    %min3A_674 = vector.broadcast %slice3A_672 : vector<1x512xf32> to vector<512x512xf32>
    %min3A_675 = arith.minimumf %min3A_673, %min3A_674 : vector<512x512xf32>
    %add3A_676 = arith.addf %add3A_670, %min3A_675 : vector<512x512xf32>
    %slice3A_677 = vector.extract_strided_slice %get3A_1 {offsets = [0, 104], sizes = [512, 1], strides = [1, 1]} : vector<512x128xf32> to vector<512x1xf32>
    %slice3A_678 = vector.extract_strided_slice %get3A_31 {offsets = [104, 0], sizes = [1, 512], strides = [1, 1]} : vector<128x512xf32> to vector<1x512xf32>
    %min3A_679 = vector.broadcast %slice3A_677 : vector<512x1xf32> to vector<512x512xf32>
    %min3A_680 = vector.broadcast %slice3A_678 : vector<1x512xf32> to vector<512x512xf32>
    %min3A_681 = arith.minimumf %min3A_679, %min3A_680 : vector<512x512xf32>
    %add3A_682 = arith.addf %add3A_676, %min3A_681 : vector<512x512xf32>
    %slice3A_683 = vector.extract_strided_slice %get3A_1 {offsets = [0, 105], sizes = [512, 1], strides = [1, 1]} : vector<512x128xf32> to vector<512x1xf32>
    %slice3A_684 = vector.extract_strided_slice %get3A_31 {offsets = [105, 0], sizes = [1, 512], strides = [1, 1]} : vector<128x512xf32> to vector<1x512xf32>
    %min3A_685 = vector.broadcast %slice3A_683 : vector<512x1xf32> to vector<512x512xf32>
    %min3A_686 = vector.broadcast %slice3A_684 : vector<1x512xf32> to vector<512x512xf32>
    %min3A_687 = arith.minimumf %min3A_685, %min3A_686 : vector<512x512xf32>
    %add3A_688 = arith.addf %add3A_682, %min3A_687 : vector<512x512xf32>
    %slice3A_689 = vector.extract_strided_slice %get3A_1 {offsets = [0, 106], sizes = [512, 1], strides = [1, 1]} : vector<512x128xf32> to vector<512x1xf32>
    %slice3A_690 = vector.extract_strided_slice %get3A_31 {offsets = [106, 0], sizes = [1, 512], strides = [1, 1]} : vector<128x512xf32> to vector<1x512xf32>
    %min3A_691 = vector.broadcast %slice3A_689 : vector<512x1xf32> to vector<512x512xf32>
    %min3A_692 = vector.broadcast %slice3A_690 : vector<1x512xf32> to vector<512x512xf32>
    %min3A_693 = arith.minimumf %min3A_691, %min3A_692 : vector<512x512xf32>
    %add3A_694 = arith.addf %add3A_688, %min3A_693 : vector<512x512xf32>
    %slice3A_695 = vector.extract_strided_slice %get3A_1 {offsets = [0, 107], sizes = [512, 1], strides = [1, 1]} : vector<512x128xf32> to vector<512x1xf32>
    %slice3A_696 = vector.extract_strided_slice %get3A_31 {offsets = [107, 0], sizes = [1, 512], strides = [1, 1]} : vector<128x512xf32> to vector<1x512xf32>
    %min3A_697 = vector.broadcast %slice3A_695 : vector<512x1xf32> to vector<512x512xf32>
    %min3A_698 = vector.broadcast %slice3A_696 : vector<1x512xf32> to vector<512x512xf32>
    %min3A_699 = arith.minimumf %min3A_697, %min3A_698 : vector<512x512xf32>
    %add3A_700 = arith.addf %add3A_694, %min3A_699 : vector<512x512xf32>
    %slice3A_701 = vector.extract_strided_slice %get3A_1 {offsets = [0, 108], sizes = [512, 1], strides = [1, 1]} : vector<512x128xf32> to vector<512x1xf32>
    %slice3A_702 = vector.extract_strided_slice %get3A_31 {offsets = [108, 0], sizes = [1, 512], strides = [1, 1]} : vector<128x512xf32> to vector<1x512xf32>
    %min3A_703 = vector.broadcast %slice3A_701 : vector<512x1xf32> to vector<512x512xf32>
    %min3A_704 = vector.broadcast %slice3A_702 : vector<1x512xf32> to vector<512x512xf32>
    %min3A_705 = arith.minimumf %min3A_703, %min3A_704 : vector<512x512xf32>
    %add3A_706 = arith.addf %add3A_700, %min3A_705 : vector<512x512xf32>
    %slice3A_707 = vector.extract_strided_slice %get3A_1 {offsets = [0, 109], sizes = [512, 1], strides = [1, 1]} : vector<512x128xf32> to vector<512x1xf32>
    %slice3A_708 = vector.extract_strided_slice %get3A_31 {offsets = [109, 0], sizes = [1, 512], strides = [1, 1]} : vector<128x512xf32> to vector<1x512xf32>
    %min3A_709 = vector.broadcast %slice3A_707 : vector<512x1xf32> to vector<512x512xf32>
    %min3A_710 = vector.broadcast %slice3A_708 : vector<1x512xf32> to vector<512x512xf32>
    %min3A_711 = arith.minimumf %min3A_709, %min3A_710 : vector<512x512xf32>
    %add3A_712 = arith.addf %add3A_706, %min3A_711 : vector<512x512xf32>
    %slice3A_713 = vector.extract_strided_slice %get3A_1 {offsets = [0, 110], sizes = [512, 1], strides = [1, 1]} : vector<512x128xf32> to vector<512x1xf32>
    %slice3A_714 = vector.extract_strided_slice %get3A_31 {offsets = [110, 0], sizes = [1, 512], strides = [1, 1]} : vector<128x512xf32> to vector<1x512xf32>
    %min3A_715 = vector.broadcast %slice3A_713 : vector<512x1xf32> to vector<512x512xf32>
    %min3A_716 = vector.broadcast %slice3A_714 : vector<1x512xf32> to vector<512x512xf32>
    %min3A_717 = arith.minimumf %min3A_715, %min3A_716 : vector<512x512xf32>
    %add3A_718 = arith.addf %add3A_712, %min3A_717 : vector<512x512xf32>
    %slice3A_719 = vector.extract_strided_slice %get3A_1 {offsets = [0, 111], sizes = [512, 1], strides = [1, 1]} : vector<512x128xf32> to vector<512x1xf32>
    %slice3A_720 = vector.extract_strided_slice %get3A_31 {offsets = [111, 0], sizes = [1, 512], strides = [1, 1]} : vector<128x512xf32> to vector<1x512xf32>
    %min3A_721 = vector.broadcast %slice3A_719 : vector<512x1xf32> to vector<512x512xf32>
    %min3A_722 = vector.broadcast %slice3A_720 : vector<1x512xf32> to vector<512x512xf32>
    %min3A_723 = arith.minimumf %min3A_721, %min3A_722 : vector<512x512xf32>
    %add3A_724 = arith.addf %add3A_718, %min3A_723 : vector<512x512xf32>
    %slice3A_725 = vector.extract_strided_slice %get3A_1 {offsets = [0, 112], sizes = [512, 1], strides = [1, 1]} : vector<512x128xf32> to vector<512x1xf32>
    %slice3A_726 = vector.extract_strided_slice %get3A_31 {offsets = [112, 0], sizes = [1, 512], strides = [1, 1]} : vector<128x512xf32> to vector<1x512xf32>
    %min3A_727 = vector.broadcast %slice3A_725 : vector<512x1xf32> to vector<512x512xf32>
    %min3A_728 = vector.broadcast %slice3A_726 : vector<1x512xf32> to vector<512x512xf32>
    %min3A_729 = arith.minimumf %min3A_727, %min3A_728 : vector<512x512xf32>
    %add3A_730 = arith.addf %add3A_724, %min3A_729 : vector<512x512xf32>
    %slice3A_731 = vector.extract_strided_slice %get3A_1 {offsets = [0, 113], sizes = [512, 1], strides = [1, 1]} : vector<512x128xf32> to vector<512x1xf32>
    %slice3A_732 = vector.extract_strided_slice %get3A_31 {offsets = [113, 0], sizes = [1, 512], strides = [1, 1]} : vector<128x512xf32> to vector<1x512xf32>
    %min3A_733 = vector.broadcast %slice3A_731 : vector<512x1xf32> to vector<512x512xf32>
    %min3A_734 = vector.broadcast %slice3A_732 : vector<1x512xf32> to vector<512x512xf32>
    %min3A_735 = arith.minimumf %min3A_733, %min3A_734 : vector<512x512xf32>
    %add3A_736 = arith.addf %add3A_730, %min3A_735 : vector<512x512xf32>
    %slice3A_737 = vector.extract_strided_slice %get3A_1 {offsets = [0, 114], sizes = [512, 1], strides = [1, 1]} : vector<512x128xf32> to vector<512x1xf32>
    %slice3A_738 = vector.extract_strided_slice %get3A_31 {offsets = [114, 0], sizes = [1, 512], strides = [1, 1]} : vector<128x512xf32> to vector<1x512xf32>
    %min3A_739 = vector.broadcast %slice3A_737 : vector<512x1xf32> to vector<512x512xf32>
    %min3A_740 = vector.broadcast %slice3A_738 : vector<1x512xf32> to vector<512x512xf32>
    %min3A_741 = arith.minimumf %min3A_739, %min3A_740 : vector<512x512xf32>
    %add3A_742 = arith.addf %add3A_736, %min3A_741 : vector<512x512xf32>
    %slice3A_743 = vector.extract_strided_slice %get3A_1 {offsets = [0, 115], sizes = [512, 1], strides = [1, 1]} : vector<512x128xf32> to vector<512x1xf32>
    %slice3A_744 = vector.extract_strided_slice %get3A_31 {offsets = [115, 0], sizes = [1, 512], strides = [1, 1]} : vector<128x512xf32> to vector<1x512xf32>
    %min3A_745 = vector.broadcast %slice3A_743 : vector<512x1xf32> to vector<512x512xf32>
    %min3A_746 = vector.broadcast %slice3A_744 : vector<1x512xf32> to vector<512x512xf32>
    %min3A_747 = arith.minimumf %min3A_745, %min3A_746 : vector<512x512xf32>
    %add3A_748 = arith.addf %add3A_742, %min3A_747 : vector<512x512xf32>
    %slice3A_749 = vector.extract_strided_slice %get3A_1 {offsets = [0, 116], sizes = [512, 1], strides = [1, 1]} : vector<512x128xf32> to vector<512x1xf32>
    %slice3A_750 = vector.extract_strided_slice %get3A_31 {offsets = [116, 0], sizes = [1, 512], strides = [1, 1]} : vector<128x512xf32> to vector<1x512xf32>
    %min3A_751 = vector.broadcast %slice3A_749 : vector<512x1xf32> to vector<512x512xf32>
    %min3A_752 = vector.broadcast %slice3A_750 : vector<1x512xf32> to vector<512x512xf32>
    %min3A_753 = arith.minimumf %min3A_751, %min3A_752 : vector<512x512xf32>
    %add3A_754 = arith.addf %add3A_748, %min3A_753 : vector<512x512xf32>
    %slice3A_755 = vector.extract_strided_slice %get3A_1 {offsets = [0, 117], sizes = [512, 1], strides = [1, 1]} : vector<512x128xf32> to vector<512x1xf32>
    %slice3A_756 = vector.extract_strided_slice %get3A_31 {offsets = [117, 0], sizes = [1, 512], strides = [1, 1]} : vector<128x512xf32> to vector<1x512xf32>
    %min3A_757 = vector.broadcast %slice3A_755 : vector<512x1xf32> to vector<512x512xf32>
    %min3A_758 = vector.broadcast %slice3A_756 : vector<1x512xf32> to vector<512x512xf32>
    %min3A_759 = arith.minimumf %min3A_757, %min3A_758 : vector<512x512xf32>
    %add3A_760 = arith.addf %add3A_754, %min3A_759 : vector<512x512xf32>
    %slice3A_761 = vector.extract_strided_slice %get3A_1 {offsets = [0, 118], sizes = [512, 1], strides = [1, 1]} : vector<512x128xf32> to vector<512x1xf32>
    %slice3A_762 = vector.extract_strided_slice %get3A_31 {offsets = [118, 0], sizes = [1, 512], strides = [1, 1]} : vector<128x512xf32> to vector<1x512xf32>
    %min3A_763 = vector.broadcast %slice3A_761 : vector<512x1xf32> to vector<512x512xf32>
    %min3A_764 = vector.broadcast %slice3A_762 : vector<1x512xf32> to vector<512x512xf32>
    %min3A_765 = arith.minimumf %min3A_763, %min3A_764 : vector<512x512xf32>
    %add3A_766 = arith.addf %add3A_760, %min3A_765 : vector<512x512xf32>
    %slice3A_767 = vector.extract_strided_slice %get3A_1 {offsets = [0, 119], sizes = [512, 1], strides = [1, 1]} : vector<512x128xf32> to vector<512x1xf32>
    %slice3A_768 = vector.extract_strided_slice %get3A_31 {offsets = [119, 0], sizes = [1, 512], strides = [1, 1]} : vector<128x512xf32> to vector<1x512xf32>
    %min3A_769 = vector.broadcast %slice3A_767 : vector<512x1xf32> to vector<512x512xf32>
    %min3A_770 = vector.broadcast %slice3A_768 : vector<1x512xf32> to vector<512x512xf32>
    %min3A_771 = arith.minimumf %min3A_769, %min3A_770 : vector<512x512xf32>
    %add3A_772 = arith.addf %add3A_766, %min3A_771 : vector<512x512xf32>
    %slice3A_773 = vector.extract_strided_slice %get3A_1 {offsets = [0, 120], sizes = [512, 1], strides = [1, 1]} : vector<512x128xf32> to vector<512x1xf32>
    %slice3A_774 = vector.extract_strided_slice %get3A_31 {offsets = [120, 0], sizes = [1, 512], strides = [1, 1]} : vector<128x512xf32> to vector<1x512xf32>
    %min3A_775 = vector.broadcast %slice3A_773 : vector<512x1xf32> to vector<512x512xf32>
    %min3A_776 = vector.broadcast %slice3A_774 : vector<1x512xf32> to vector<512x512xf32>
    %min3A_777 = arith.minimumf %min3A_775, %min3A_776 : vector<512x512xf32>
    %add3A_778 = arith.addf %add3A_772, %min3A_777 : vector<512x512xf32>
    %slice3A_779 = vector.extract_strided_slice %get3A_1 {offsets = [0, 121], sizes = [512, 1], strides = [1, 1]} : vector<512x128xf32> to vector<512x1xf32>
    %slice3A_780 = vector.extract_strided_slice %get3A_31 {offsets = [121, 0], sizes = [1, 512], strides = [1, 1]} : vector<128x512xf32> to vector<1x512xf32>
    %min3A_781 = vector.broadcast %slice3A_779 : vector<512x1xf32> to vector<512x512xf32>
    %min3A_782 = vector.broadcast %slice3A_780 : vector<1x512xf32> to vector<512x512xf32>
    %min3A_783 = arith.minimumf %min3A_781, %min3A_782 : vector<512x512xf32>
    %add3A_784 = arith.addf %add3A_778, %min3A_783 : vector<512x512xf32>
    %slice3A_785 = vector.extract_strided_slice %get3A_1 {offsets = [0, 122], sizes = [512, 1], strides = [1, 1]} : vector<512x128xf32> to vector<512x1xf32>
    %slice3A_786 = vector.extract_strided_slice %get3A_31 {offsets = [122, 0], sizes = [1, 512], strides = [1, 1]} : vector<128x512xf32> to vector<1x512xf32>
    %min3A_787 = vector.broadcast %slice3A_785 : vector<512x1xf32> to vector<512x512xf32>
    %min3A_788 = vector.broadcast %slice3A_786 : vector<1x512xf32> to vector<512x512xf32>
    %min3A_789 = arith.minimumf %min3A_787, %min3A_788 : vector<512x512xf32>
    %add3A_790 = arith.addf %add3A_784, %min3A_789 : vector<512x512xf32>
    %slice3A_791 = vector.extract_strided_slice %get3A_1 {offsets = [0, 123], sizes = [512, 1], strides = [1, 1]} : vector<512x128xf32> to vector<512x1xf32>
    %slice3A_792 = vector.extract_strided_slice %get3A_31 {offsets = [123, 0], sizes = [1, 512], strides = [1, 1]} : vector<128x512xf32> to vector<1x512xf32>
    %min3A_793 = vector.broadcast %slice3A_791 : vector<512x1xf32> to vector<512x512xf32>
    %min3A_794 = vector.broadcast %slice3A_792 : vector<1x512xf32> to vector<512x512xf32>
    %min3A_795 = arith.minimumf %min3A_793, %min3A_794 : vector<512x512xf32>
    %add3A_796 = arith.addf %add3A_790, %min3A_795 : vector<512x512xf32>
    %slice3A_797 = vector.extract_strided_slice %get3A_1 {offsets = [0, 124], sizes = [512, 1], strides = [1, 1]} : vector<512x128xf32> to vector<512x1xf32>
    %slice3A_798 = vector.extract_strided_slice %get3A_31 {offsets = [124, 0], sizes = [1, 512], strides = [1, 1]} : vector<128x512xf32> to vector<1x512xf32>
    %min3A_799 = vector.broadcast %slice3A_797 : vector<512x1xf32> to vector<512x512xf32>
    %min3A_800 = vector.broadcast %slice3A_798 : vector<1x512xf32> to vector<512x512xf32>
    %min3A_801 = arith.minimumf %min3A_799, %min3A_800 : vector<512x512xf32>
    %add3A_802 = arith.addf %add3A_796, %min3A_801 : vector<512x512xf32>
    %slice3A_803 = vector.extract_strided_slice %get3A_1 {offsets = [0, 125], sizes = [512, 1], strides = [1, 1]} : vector<512x128xf32> to vector<512x1xf32>
    %slice3A_804 = vector.extract_strided_slice %get3A_31 {offsets = [125, 0], sizes = [1, 512], strides = [1, 1]} : vector<128x512xf32> to vector<1x512xf32>
    %min3A_805 = vector.broadcast %slice3A_803 : vector<512x1xf32> to vector<512x512xf32>
    %min3A_806 = vector.broadcast %slice3A_804 : vector<1x512xf32> to vector<512x512xf32>
    %min3A_807 = arith.minimumf %min3A_805, %min3A_806 : vector<512x512xf32>
    %add3A_808 = arith.addf %add3A_802, %min3A_807 : vector<512x512xf32>
    %slice3A_809 = vector.extract_strided_slice %get3A_1 {offsets = [0, 126], sizes = [512, 1], strides = [1, 1]} : vector<512x128xf32> to vector<512x1xf32>
    %slice3A_810 = vector.extract_strided_slice %get3A_31 {offsets = [126, 0], sizes = [1, 512], strides = [1, 1]} : vector<128x512xf32> to vector<1x512xf32>
    %min3A_811 = vector.broadcast %slice3A_809 : vector<512x1xf32> to vector<512x512xf32>
    %min3A_812 = vector.broadcast %slice3A_810 : vector<1x512xf32> to vector<512x512xf32>
    %min3A_813 = arith.minimumf %min3A_811, %min3A_812 : vector<512x512xf32>
    %add3A_814 = arith.addf %add3A_808, %min3A_813 : vector<512x512xf32>
    %slice3A_815 = vector.extract_strided_slice %get3A_1 {offsets = [0, 127], sizes = [512, 1], strides = [1, 1]} : vector<512x128xf32> to vector<512x1xf32>
    %slice3A_816 = vector.extract_strided_slice %get3A_31 {offsets = [127, 0], sizes = [1, 512], strides = [1, 1]} : vector<128x512xf32> to vector<1x512xf32>
    %min3A_817 = vector.broadcast %slice3A_815 : vector<512x1xf32> to vector<512x512xf32>
    %min3A_818 = vector.broadcast %slice3A_816 : vector<1x512xf32> to vector<512x512xf32>
    %min3A_819 = arith.minimumf %min3A_817, %min3A_818 : vector<512x512xf32>
    %add3A_820 = arith.addf %add3A_814, %min3A_819 : vector<512x512xf32>
    %add3A_821 = vector.broadcast %broadcast_in_dim3A : vector<512x1xf32> to vector<512x512xf32>
    %add3A_822 = vector.broadcast %broadcast_in_dim3A_34 : vector<1x512xf32> to vector<512x512xf32>
    %add3A_823 = arith.addf %add3A_821, %add3A_822 : vector<512x512xf32>
    %mul3A_824 = arith.constant 2.000000e+00 : f32
    %mul3A_825 = vector.broadcast %mul3A_824 : f32 to vector<512x512xf32>
    %mul3A_826 = arith.mulf %mul3A_825, %add3A_820 : vector<512x512xf32>
    %sub3A_827 = arith.subf %add3A_823, %mul3A_826 : vector<512x512xf32>
    %mul3A_828 = arith.constant 1.600000e+01 : f32
    %mul3A_829 = vector.broadcast %mul3A_828 : f32 to vector<512x512xf32>
    %mul3A_830 = arith.mulf %sub3A_827, %mul3A_829 : vector<512x512xf32>
    %floor3A = math.floor %mul3A_830 : vector<512x512xf32>
    %mul3A_831 = arith.constant 5.120000e+02 : f32
    %mul3A_832 = vector.broadcast %mul3A_831 : f32 to vector<512x512xf32>
    %mul3A_833 = arith.mulf %floor3A, %mul3A_832 : vector<512x512xf32>
    %add3A_834 = arith.addf %mul3A_833, %convert_element_type3A : vector<512x512xf32>
    %get3A_835 = arith.index_cast %select_n3A : i32 to index
    %get3A_836 = arith.constant 0 : index
    %get3A_837 = arith.constant 0 : index
    %get3A_838 = vector.load %arg7[%get3A_835, %get3A_836, %get3A_837] : memref<3x512x128xf32, #tpu.memory_space<vmem>>, vector<1x512x128xf32>
    %get3A_839 = vector.shape_cast %get3A_838 : vector<1x512x128xf32> to vector<512x128xf32>
    %reduce_min3A = arith.constant dense<0x7F800000> : vector<512xf32>
    %reduce_min3A_840 = vector.multi_reduction <minimumf>, %add3A_834, %reduce_min3A [1] : vector<512x512xf32> to vector<512xf32>
    %broadcast_in_dim3A_841 = vector.shape_cast %reduce_min3A_840 : vector<512xf32> to vector<512x1xf32>
    %eq3A_842 = vector.broadcast %broadcast_in_dim3A_841 : vector<512x1xf32> to vector<512x512xf32>
    %eq3A_843 = arith.cmpf oeq, %add3A_834, %eq3A_842 : vector<512x512xf32>
    %jit3A_844 = arith.constant 3.000000e+38 : f32
    %broadcast_in_dim3A_845 = vector.broadcast %jit3A_844 : f32 to vector<512x512xf32>
    %select_n3A_846 = arith.select %eq3A_843, %broadcast_in_dim3A_845, %add3A_834 : vector<512x512xi1>, vector<512x512xf32>
    %add3A_847 = arith.constant 0 : i32
    %add3A_848 = arith.addi %mul3A_52, %add3A_847 : i32
    %eq3A_849 = vector.broadcast %add3A_848 : i32 to vector<512x128xi32>
    %eq3A_850 = arith.cmpi eq, %iota3A_3, %eq3A_849 : vector<512x128xi32>
    %broadcast_in_dim3A_851 = vector.shape_cast %broadcast_in_dim3A_841 : vector<512x1xf32> to vector<512x1xf32>
    %broadcast_in_dim3A_852 = vector.broadcast %broadcast_in_dim3A_851 : vector<512x1xf32> to vector<512x128xf32>
    %select_n3A_853 = arith.select %eq3A_850, %broadcast_in_dim3A_852, %get3A_839 : vector<512x128xi1>, vector<512x128xf32>
    %reduce_min3A_854 = arith.constant dense<0x7F800000> : vector<512xf32>
    %reduce_min3A_855 = vector.multi_reduction <minimumf>, %select_n3A_846, %reduce_min3A_854 [1] : vector<512x512xf32> to vector<512xf32>
    %broadcast_in_dim3A_856 = vector.shape_cast %reduce_min3A_855 : vector<512xf32> to vector<512x1xf32>
    %eq3A_857 = vector.broadcast %broadcast_in_dim3A_856 : vector<512x1xf32> to vector<512x512xf32>
    %eq3A_858 = arith.cmpf oeq, %select_n3A_846, %eq3A_857 : vector<512x512xf32>
    %jit3A_859 = arith.constant 3.000000e+38 : f32
    %broadcast_in_dim3A_860 = vector.broadcast %jit3A_859 : f32 to vector<512x512xf32>
    %select_n3A_861 = arith.select %eq3A_858, %broadcast_in_dim3A_860, %select_n3A_846 : vector<512x512xi1>, vector<512x512xf32>
    %add3A_862 = arith.constant 1 : i32
    %add3A_863 = arith.addi %mul3A_52, %add3A_862 : i32
    %eq3A_864 = vector.broadcast %add3A_863 : i32 to vector<512x128xi32>
    %eq3A_865 = arith.cmpi eq, %iota3A_3, %eq3A_864 : vector<512x128xi32>
    %broadcast_in_dim3A_866 = vector.shape_cast %broadcast_in_dim3A_856 : vector<512x1xf32> to vector<512x1xf32>
    %broadcast_in_dim3A_867 = vector.broadcast %broadcast_in_dim3A_866 : vector<512x1xf32> to vector<512x128xf32>
    %select_n3A_868 = arith.select %eq3A_865, %broadcast_in_dim3A_867, %select_n3A_853 : vector<512x128xi1>, vector<512x128xf32>
    %reduce_min3A_869 = arith.constant dense<0x7F800000> : vector<512xf32>
    %reduce_min3A_870 = vector.multi_reduction <minimumf>, %select_n3A_861, %reduce_min3A_869 [1] : vector<512x512xf32> to vector<512xf32>
    %broadcast_in_dim3A_871 = vector.shape_cast %reduce_min3A_870 : vector<512xf32> to vector<512x1xf32>
    %eq3A_872 = vector.broadcast %broadcast_in_dim3A_871 : vector<512x1xf32> to vector<512x512xf32>
    %eq3A_873 = arith.cmpf oeq, %select_n3A_861, %eq3A_872 : vector<512x512xf32>
    %jit3A_874 = arith.constant 3.000000e+38 : f32
    %broadcast_in_dim3A_875 = vector.broadcast %jit3A_874 : f32 to vector<512x512xf32>
    %select_n3A_876 = arith.select %eq3A_873, %broadcast_in_dim3A_875, %select_n3A_861 : vector<512x512xi1>, vector<512x512xf32>
    %add3A_877 = arith.constant 2 : i32
    %add3A_878 = arith.addi %mul3A_52, %add3A_877 : i32
    %eq3A_879 = vector.broadcast %add3A_878 : i32 to vector<512x128xi32>
    %eq3A_880 = arith.cmpi eq, %iota3A_3, %eq3A_879 : vector<512x128xi32>
    %broadcast_in_dim3A_881 = vector.shape_cast %broadcast_in_dim3A_871 : vector<512x1xf32> to vector<512x1xf32>
    %broadcast_in_dim3A_882 = vector.broadcast %broadcast_in_dim3A_881 : vector<512x1xf32> to vector<512x128xf32>
    %select_n3A_883 = arith.select %eq3A_880, %broadcast_in_dim3A_882, %select_n3A_868 : vector<512x128xi1>, vector<512x128xf32>
    %reduce_min3A_884 = arith.constant dense<0x7F800000> : vector<512xf32>
    %reduce_min3A_885 = vector.multi_reduction <minimumf>, %select_n3A_876, %reduce_min3A_884 [1] : vector<512x512xf32> to vector<512xf32>
    %broadcast_in_dim3A_886 = vector.shape_cast %reduce_min3A_885 : vector<512xf32> to vector<512x1xf32>
    %eq3A_887 = vector.broadcast %broadcast_in_dim3A_886 : vector<512x1xf32> to vector<512x512xf32>
    %eq3A_888 = arith.cmpf oeq, %select_n3A_876, %eq3A_887 : vector<512x512xf32>
    %jit3A_889 = arith.constant 3.000000e+38 : f32
    %broadcast_in_dim3A_890 = vector.broadcast %jit3A_889 : f32 to vector<512x512xf32>
    %select_n3A_891 = arith.select %eq3A_888, %broadcast_in_dim3A_890, %select_n3A_876 : vector<512x512xi1>, vector<512x512xf32>
    %add3A_892 = arith.constant 3 : i32
    %add3A_893 = arith.addi %mul3A_52, %add3A_892 : i32
    %eq3A_894 = vector.broadcast %add3A_893 : i32 to vector<512x128xi32>
    %eq3A_895 = arith.cmpi eq, %iota3A_3, %eq3A_894 : vector<512x128xi32>
    %broadcast_in_dim3A_896 = vector.shape_cast %broadcast_in_dim3A_886 : vector<512x1xf32> to vector<512x1xf32>
    %broadcast_in_dim3A_897 = vector.broadcast %broadcast_in_dim3A_896 : vector<512x1xf32> to vector<512x128xf32>
    %select_n3A_898 = arith.select %eq3A_895, %broadcast_in_dim3A_897, %select_n3A_883 : vector<512x128xi1>, vector<512x128xf32>
    %reduce_min3A_899 = arith.constant dense<0x7F800000> : vector<512xf32>
    %reduce_min3A_900 = vector.multi_reduction <minimumf>, %select_n3A_891, %reduce_min3A_899 [1] : vector<512x512xf32> to vector<512xf32>
    %broadcast_in_dim3A_901 = vector.shape_cast %reduce_min3A_900 : vector<512xf32> to vector<512x1xf32>
    %eq3A_902 = vector.broadcast %broadcast_in_dim3A_901 : vector<512x1xf32> to vector<512x512xf32>
    %eq3A_903 = arith.cmpf oeq, %select_n3A_891, %eq3A_902 : vector<512x512xf32>
    %jit3A_904 = arith.constant 3.000000e+38 : f32
    %broadcast_in_dim3A_905 = vector.broadcast %jit3A_904 : f32 to vector<512x512xf32>
    %select_n3A_906 = arith.select %eq3A_903, %broadcast_in_dim3A_905, %select_n3A_891 : vector<512x512xi1>, vector<512x512xf32>
    %add3A_907 = arith.constant 4 : i32
    %add3A_908 = arith.addi %mul3A_52, %add3A_907 : i32
    %eq3A_909 = vector.broadcast %add3A_908 : i32 to vector<512x128xi32>
    %eq3A_910 = arith.cmpi eq, %iota3A_3, %eq3A_909 : vector<512x128xi32>
    %broadcast_in_dim3A_911 = vector.shape_cast %broadcast_in_dim3A_901 : vector<512x1xf32> to vector<512x1xf32>
    %broadcast_in_dim3A_912 = vector.broadcast %broadcast_in_dim3A_911 : vector<512x1xf32> to vector<512x128xf32>
    %select_n3A_913 = arith.select %eq3A_910, %broadcast_in_dim3A_912, %select_n3A_898 : vector<512x128xi1>, vector<512x128xf32>
    %reduce_min3A_914 = arith.constant dense<0x7F800000> : vector<512xf32>
    %reduce_min3A_915 = vector.multi_reduction <minimumf>, %select_n3A_906, %reduce_min3A_914 [1] : vector<512x512xf32> to vector<512xf32>
    %broadcast_in_dim3A_916 = vector.shape_cast %reduce_min3A_915 : vector<512xf32> to vector<512x1xf32>
    %eq3A_917 = vector.broadcast %broadcast_in_dim3A_916 : vector<512x1xf32> to vector<512x512xf32>
    %eq3A_918 = arith.cmpf oeq, %select_n3A_906, %eq3A_917 : vector<512x512xf32>
    %jit3A_919 = arith.constant 3.000000e+38 : f32
    %broadcast_in_dim3A_920 = vector.broadcast %jit3A_919 : f32 to vector<512x512xf32>
    %select_n3A_921 = arith.select %eq3A_918, %broadcast_in_dim3A_920, %select_n3A_906 : vector<512x512xi1>, vector<512x512xf32>
    %add3A_922 = arith.constant 5 : i32
    %add3A_923 = arith.addi %mul3A_52, %add3A_922 : i32
    %eq3A_924 = vector.broadcast %add3A_923 : i32 to vector<512x128xi32>
    %eq3A_925 = arith.cmpi eq, %iota3A_3, %eq3A_924 : vector<512x128xi32>
    %broadcast_in_dim3A_926 = vector.shape_cast %broadcast_in_dim3A_916 : vector<512x1xf32> to vector<512x1xf32>
    %broadcast_in_dim3A_927 = vector.broadcast %broadcast_in_dim3A_926 : vector<512x1xf32> to vector<512x128xf32>
    %select_n3A_928 = arith.select %eq3A_925, %broadcast_in_dim3A_927, %select_n3A_913 : vector<512x128xi1>, vector<512x128xf32>
    %reduce_min3A_929 = arith.constant dense<0x7F800000> : vector<512xf32>
    %reduce_min3A_930 = vector.multi_reduction <minimumf>, %select_n3A_921, %reduce_min3A_929 [1] : vector<512x512xf32> to vector<512xf32>
    %broadcast_in_dim3A_931 = vector.shape_cast %reduce_min3A_930 : vector<512xf32> to vector<512x1xf32>
    %eq3A_932 = vector.broadcast %broadcast_in_dim3A_931 : vector<512x1xf32> to vector<512x512xf32>
    %eq3A_933 = arith.cmpf oeq, %select_n3A_921, %eq3A_932 : vector<512x512xf32>
    %jit3A_934 = arith.constant 3.000000e+38 : f32
    %broadcast_in_dim3A_935 = vector.broadcast %jit3A_934 : f32 to vector<512x512xf32>
    %select_n3A_936 = arith.select %eq3A_933, %broadcast_in_dim3A_935, %select_n3A_921 : vector<512x512xi1>, vector<512x512xf32>
    %add3A_937 = arith.constant 6 : i32
    %add3A_938 = arith.addi %mul3A_52, %add3A_937 : i32
    %eq3A_939 = vector.broadcast %add3A_938 : i32 to vector<512x128xi32>
    %eq3A_940 = arith.cmpi eq, %iota3A_3, %eq3A_939 : vector<512x128xi32>
    %broadcast_in_dim3A_941 = vector.shape_cast %broadcast_in_dim3A_931 : vector<512x1xf32> to vector<512x1xf32>
    %broadcast_in_dim3A_942 = vector.broadcast %broadcast_in_dim3A_941 : vector<512x1xf32> to vector<512x128xf32>
    %select_n3A_943 = arith.select %eq3A_940, %broadcast_in_dim3A_942, %select_n3A_928 : vector<512x128xi1>, vector<512x128xf32>
    %reduce_min3A_944 = arith.constant dense<0x7F800000> : vector<512xf32>
    %reduce_min3A_945 = vector.multi_reduction <minimumf>, %select_n3A_936, %reduce_min3A_944 [1] : vector<512x512xf32> to vector<512xf32>
    %broadcast_in_dim3A_946 = vector.shape_cast %reduce_min3A_945 : vector<512xf32> to vector<512x1xf32>
    %eq3A_947 = vector.broadcast %broadcast_in_dim3A_946 : vector<512x1xf32> to vector<512x512xf32>
    %eq3A_948 = arith.cmpf oeq, %select_n3A_936, %eq3A_947 : vector<512x512xf32>
    %jit3A_949 = arith.constant 3.000000e+38 : f32
    %broadcast_in_dim3A_950 = vector.broadcast %jit3A_949 : f32 to vector<512x512xf32>
    %select_n3A_951 = arith.select %eq3A_948, %broadcast_in_dim3A_950, %select_n3A_936 : vector<512x512xi1>, vector<512x512xf32>
    %add3A_952 = arith.constant 7 : i32
    %add3A_953 = arith.addi %mul3A_52, %add3A_952 : i32
    %eq3A_954 = vector.broadcast %add3A_953 : i32 to vector<512x128xi32>
    %eq3A_955 = arith.cmpi eq, %iota3A_3, %eq3A_954 : vector<512x128xi32>
    %broadcast_in_dim3A_956 = vector.shape_cast %broadcast_in_dim3A_946 : vector<512x1xf32> to vector<512x1xf32>
    %broadcast_in_dim3A_957 = vector.broadcast %broadcast_in_dim3A_956 : vector<512x1xf32> to vector<512x128xf32>
    %select_n3A_958 = arith.select %eq3A_955, %broadcast_in_dim3A_957, %select_n3A_943 : vector<512x128xi1>, vector<512x128xf32>
    %reduce_min3A_959 = arith.constant dense<0x7F800000> : vector<512xf32>
    %reduce_min3A_960 = vector.multi_reduction <minimumf>, %select_n3A_951, %reduce_min3A_959 [1] : vector<512x512xf32> to vector<512xf32>
    %broadcast_in_dim3A_961 = vector.shape_cast %reduce_min3A_960 : vector<512xf32> to vector<512x1xf32>
    %eq3A_962 = vector.broadcast %broadcast_in_dim3A_961 : vector<512x1xf32> to vector<512x512xf32>
    %eq3A_963 = arith.cmpf oeq, %select_n3A_951, %eq3A_962 : vector<512x512xf32>
    %jit3A_964 = arith.constant 3.000000e+38 : f32
    %broadcast_in_dim3A_965 = vector.broadcast %jit3A_964 : f32 to vector<512x512xf32>
    %select_n3A_966 = arith.select %eq3A_963, %broadcast_in_dim3A_965, %select_n3A_951 : vector<512x512xi1>, vector<512x512xf32>
    %add3A_967 = arith.constant 8 : i32
    %add3A_968 = arith.addi %mul3A_52, %add3A_967 : i32
    %eq3A_969 = vector.broadcast %add3A_968 : i32 to vector<512x128xi32>
    %eq3A_970 = arith.cmpi eq, %iota3A_3, %eq3A_969 : vector<512x128xi32>
    %broadcast_in_dim3A_971 = vector.shape_cast %broadcast_in_dim3A_961 : vector<512x1xf32> to vector<512x1xf32>
    %broadcast_in_dim3A_972 = vector.broadcast %broadcast_in_dim3A_971 : vector<512x1xf32> to vector<512x128xf32>
    %select_n3A_973 = arith.select %eq3A_970, %broadcast_in_dim3A_972, %select_n3A_958 : vector<512x128xi1>, vector<512x128xf32>
    %reduce_min3A_974 = arith.constant dense<0x7F800000> : vector<512xf32>
    %reduce_min3A_975 = vector.multi_reduction <minimumf>, %select_n3A_966, %reduce_min3A_974 [1] : vector<512x512xf32> to vector<512xf32>
    %broadcast_in_dim3A_976 = vector.shape_cast %reduce_min3A_975 : vector<512xf32> to vector<512x1xf32>
    %add3A_977 = arith.constant 9 : i32
    %add3A_978 = arith.addi %mul3A_52, %add3A_977 : i32
    %eq3A_979 = vector.broadcast %add3A_978 : i32 to vector<512x128xi32>
    %eq3A_980 = arith.cmpi eq, %iota3A_3, %eq3A_979 : vector<512x128xi32>
    %broadcast_in_dim3A_981 = vector.shape_cast %broadcast_in_dim3A_976 : vector<512x1xf32> to vector<512x1xf32>
    %broadcast_in_dim3A_982 = vector.broadcast %broadcast_in_dim3A_981 : vector<512x1xf32> to vector<512x128xf32>
    %select_n3A_983 = arith.select %eq3A_980, %broadcast_in_dim3A_982, %select_n3A_973 : vector<512x128xi1>, vector<512x128xf32>
    %swap3A = arith.index_cast %select_n3A : i32 to index
    %swap3A_984 = arith.constant 0 : index
    %swap3A_985 = arith.constant 0 : index
    %swap3A_986 = vector.load %arg7[%swap3A, %swap3A_984, %swap3A_985] : memref<3x512x128xf32, #tpu.memory_space<vmem>>, vector<1x512x128xf32>
    %swap3A_987 = vector.shape_cast %swap3A_986 : vector<1x512x128xf32> to vector<512x128xf32>
    %swap3A_988 = vector.shape_cast %select_n3A_983 : vector<512x128xf32> to vector<1x512x128xf32>
    tpu.vector_store %arg7[%swap3A, %swap3A_984, %swap3A_985], %swap3A_988 {strides = array<i32>} : memref<3x512x128xf32, #tpu.memory_space<vmem>>, vector<1x512x128xf32>,
    %eq3A_989 = arith.constant 19 : i32
    %eq3A_990 = arith.cmpi eq, %arg1, %eq3A_989 : i32
    %convert_element_type3A_991 = arith.extui %eq3A_990 : i1 to i32
    %cond3A_992 = arith.constant 3.000000e+38 : f32
    %cond3A_993 = arith.constant 0 : i32
    %cond3A_994 = arith.cmpi ne, %convert_element_type3A_991, %cond3A_993 : i32
    scf.if %cond3A_994 {
      %get3A_995 = arith.constant 0 : index
      %get3A_996 = arith.constant 0 : index
      %get3A_997 = vector.load %arg4[%get3A_995, %get3A_996] : memref<512x128xf32, #tpu.memory_space<vmem>>, vector<512x128xf32>
      %get3A_998 = arith.constant 0 : index
      %get3A_999 = arith.constant 0 : index
      %get3A_1000 = vector.load %arg5[%get3A_998, %get3A_999] : memref<512x128xf32, #tpu.memory_space<vmem>>, vector<512x128xf32>
      %sub3A_1001 = arith.subf %get3A_997, %get3A_1000 : vector<512x128xf32>
      %abs3A = math.absf %sub3A_1001 : vector<512x128xf32>
      %reduce_sum3A_1002 = arith.constant dense<0.000000e+00> : vector<512xf32>
      %reduce_sum3A_1003 = vector.multi_reduction <add>, %abs3A, %reduce_sum3A_1002 [1] : vector<512x128xf32> to vector<512xf32>
      %broadcast_in_dim3A_1004 = vector.shape_cast %reduce_sum3A_1003 : vector<512xf32> to vector<512x1xf32>
      %add3A_1005 = arith.constant 1.000000e+00 : f32
      %add3A_1006 = vector.broadcast %add3A_1005 : f32 to vector<512x1xf32>
      %add3A_1007 = arith.addf %broadcast_in_dim3A_1004, %add3A_1006 : vector<512x1xf32>
      %get3A_1008 = arith.constant 0 : index
      %get3A_1009 = arith.constant 0 : index
      %get3A_1010 = arith.constant 0 : index
      %get3A_1011 = vector.load %arg7[%get3A_1008, %get3A_1009, %get3A_1010] : memref<3x512x128xf32, #tpu.memory_space<vmem>>, vector<1x512x128xf32>
      %get3A_1012 = vector.shape_cast %get3A_1011 : vector<1x512x128xf32> to vector<512x128xf32>
      %get3A_1013 = arith.constant 1 : index
      %get3A_1014 = arith.constant 0 : index
      %get3A_1015 = arith.constant 0 : index
      %get3A_1016 = vector.load %arg7[%get3A_1013, %get3A_1014, %get3A_1015] : memref<3x512x128xf32, #tpu.memory_space<vmem>>, vector<1x512x128xf32>
      %get3A_1017 = vector.shape_cast %get3A_1016 : vector<1x512x128xf32> to vector<512x128xf32>
      %get3A_1018 = arith.constant 2 : index
      %get3A_1019 = arith.constant 0 : index
      %get3A_1020 = arith.constant 0 : index
      %get3A_1021 = vector.load %arg7[%get3A_1018, %get3A_1019, %get3A_1020] : memref<3x512x128xf32, #tpu.memory_space<vmem>>, vector<1x512x128xf32>
      %get3A_1022 = vector.shape_cast %get3A_1021 : vector<1x512x128xf32> to vector<512x128xf32>
      %concatenate3A = tpu.concatenate %get3A_1012, %get3A_1017, %get3A_1022 in 1 : vector<512x128xf32>, vector<512x128xf32>, vector<512x128xf32> -> vector<512x384xf32>
      %broadcast_in_dim3A_1023 = arith.constant 0.000000e+00 : f32
      %broadcast_in_dim3A_1024 = vector.broadcast %broadcast_in_dim3A_1023 : f32 to vector<512x1xf32>
      %reduce_min3A_1025 = arith.constant dense<0x7F800000> : vector<512xf32>
      %reduce_min3A_1026 = vector.multi_reduction <minimumf>, %concatenate3A, %reduce_min3A_1025 [1] : vector<512x384xf32> to vector<512xf32>
      %broadcast_in_dim3A_1027 = vector.shape_cast %reduce_min3A_1026 : vector<512xf32> to vector<512x1xf32>
      %eq3A_1028 = vector.broadcast %broadcast_in_dim3A_1027 : vector<512x1xf32> to vector<512x384xf32>
      %eq3A_1029 = arith.cmpf oeq, %concatenate3A, %eq3A_1028 : vector<512x384xf32>
      %broadcast_in_dim3A_1030 = vector.broadcast %cond3A_992 : f32 to vector<512x384xf32>
      %select_n3A_1031 = arith.select %eq3A_1029, %broadcast_in_dim3A_1030, %concatenate3A : vector<512x384xi1>, vector<512x384xf32>
      %mul3A_1032 = arith.constant 0.001953125 : f32
      %mul3A_1033 = vector.broadcast %mul3A_1032 : f32 to vector<512x1xf32>
      %mul3A_1034 = arith.mulf %broadcast_in_dim3A_1027, %mul3A_1033 : vector<512x1xf32>
      %floor3A_1035 = math.floor %mul3A_1034 : vector<512x1xf32>
      %mul3A_1036 = arith.constant 6.250000e-02 : f32
      %mul3A_1037 = vector.broadcast %mul3A_1036 : f32 to vector<512x1xf32>
      %mul3A_1038 = arith.mulf %floor3A_1035, %mul3A_1037 : vector<512x1xf32>
      %add3A_1039 = arith.constant 3.125000e-02 : f32
      %add3A_1040 = vector.broadcast %add3A_1039 : f32 to vector<512x1xf32>
      %add3A_1041 = arith.addf %mul3A_1038, %add3A_1040 : vector<512x1xf32>
      %sub3A_1042 = arith.subf %add3A_1007, %add3A_1041 : vector<512x1xf32>
      %max3A = arith.constant 0.000000e+00 : f32
      %max3A_1043 = vector.broadcast %max3A : f32 to vector<512x1xf32>
      %max3A_1044 = arith.maximumf %sub3A_1042, %max3A_1043 : vector<512x1xf32>
      %add3A_1045 = arith.addf %broadcast_in_dim3A_1024, %max3A_1044 : vector<512x1xf32>
      %reduce_min3A_1046 = arith.constant dense<0x7F800000> : vector<512xf32>
      %reduce_min3A_1047 = vector.multi_reduction <minimumf>, %select_n3A_1031, %reduce_min3A_1046 [1] : vector<512x384xf32> to vector<512xf32>
      %broadcast_in_dim3A_1048 = vector.shape_cast %reduce_min3A_1047 : vector<512xf32> to vector<512x1xf32>
      %eq3A_1049 = vector.broadcast %broadcast_in_dim3A_1048 : vector<512x1xf32> to vector<512x384xf32>
      %eq3A_1050 = arith.cmpf oeq, %select_n3A_1031, %eq3A_1049 : vector<512x384xf32>
      %broadcast_in_dim3A_1051 = vector.broadcast %cond3A_992 : f32 to vector<512x384xf32>
      %select_n3A_1052 = arith.select %eq3A_1050, %broadcast_in_dim3A_1051, %select_n3A_1031 : vector<512x384xi1>, vector<512x384xf32>
      %mul3A_1053 = arith.constant 0.001953125 : f32
      %mul3A_1054 = vector.broadcast %mul3A_1053 : f32 to vector<512x1xf32>
      %mul3A_1055 = arith.mulf %broadcast_in_dim3A_1048, %mul3A_1054 : vector<512x1xf32>
      %floor3A_1056 = math.floor %mul3A_1055 : vector<512x1xf32>
      %mul3A_1057 = arith.constant 6.250000e-02 : f32
      %mul3A_1058 = vector.broadcast %mul3A_1057 : f32 to vector<512x1xf32>
      %mul3A_1059 = arith.mulf %floor3A_1056, %mul3A_1058 : vector<512x1xf32>
      %add3A_1060 = arith.constant 3.125000e-02 : f32
      %add3A_1061 = vector.broadcast %add3A_1060 : f32 to vector<512x1xf32>
      %add3A_1062 = arith.addf %mul3A_1059, %add3A_1061 : vector<512x1xf32>
      %sub3A_1063 = arith.subf %add3A_1007, %add3A_1062 : vector<512x1xf32>
      %max3A_1064 = arith.constant 0.000000e+00 : f32
      %max3A_1065 = vector.broadcast %max3A_1064 : f32 to vector<512x1xf32>
      %max3A_1066 = arith.maximumf %sub3A_1063, %max3A_1065 : vector<512x1xf32>
      %add3A_1067 = arith.addf %add3A_1045, %max3A_1066 : vector<512x1xf32>
      %reduce_min3A_1068 = arith.constant dense<0x7F800000> : vector<512xf32>
      %reduce_min3A_1069 = vector.multi_reduction <minimumf>, %select_n3A_1052, %reduce_min3A_1068 [1] : vector<512x384xf32> to vector<512xf32>
      %broadcast_in_dim3A_1070 = vector.shape_cast %reduce_min3A_1069 : vector<512xf32> to vector<512x1xf32>
      %eq3A_1071 = vector.broadcast %broadcast_in_dim3A_1070 : vector<512x1xf32> to vector<512x384xf32>
      %eq3A_1072 = arith.cmpf oeq, %select_n3A_1052, %eq3A_1071 : vector<512x384xf32>
      %broadcast_in_dim3A_1073 = vector.broadcast %cond3A_992 : f32 to vector<512x384xf32>
      %select_n3A_1074 = arith.select %eq3A_1072, %broadcast_in_dim3A_1073, %select_n3A_1052 : vector<512x384xi1>, vector<512x384xf32>
      %mul3A_1075 = arith.constant 0.001953125 : f32
      %mul3A_1076 = vector.broadcast %mul3A_1075 : f32 to vector<512x1xf32>
      %mul3A_1077 = arith.mulf %broadcast_in_dim3A_1070, %mul3A_1076 : vector<512x1xf32>
      %floor3A_1078 = math.floor %mul3A_1077 : vector<512x1xf32>
      %mul3A_1079 = arith.constant 6.250000e-02 : f32
      %mul3A_1080 = vector.broadcast %mul3A_1079 : f32 to vector<512x1xf32>
      %mul3A_1081 = arith.mulf %floor3A_1078, %mul3A_1080 : vector<512x1xf32>
      %add3A_1082 = arith.constant 3.125000e-02 : f32
      %add3A_1083 = vector.broadcast %add3A_1082 : f32 to vector<512x1xf32>
      %add3A_1084 = arith.addf %mul3A_1081, %add3A_1083 : vector<512x1xf32>
      %sub3A_1085 = arith.subf %add3A_1007, %add3A_1084 : vector<512x1xf32>
      %max3A_1086 = arith.constant 0.000000e+00 : f32
      %max3A_1087 = vector.broadcast %max3A_1086 : f32 to vector<512x1xf32>
      %max3A_1088 = arith.maximumf %sub3A_1085, %max3A_1087 : vector<512x1xf32>
      %add3A_1089 = arith.addf %add3A_1067, %max3A_1088 : vector<512x1xf32>
      %reduce_min3A_1090 = arith.constant dense<0x7F800000> : vector<512xf32>
      %reduce_min3A_1091 = vector.multi_reduction <minimumf>, %select_n3A_1074, %reduce_min3A_1090 [1] : vector<512x384xf32> to vector<512xf32>
      %broadcast_in_dim3A_1092 = vector.shape_cast %reduce_min3A_1091 : vector<512xf32> to vector<512x1xf32>
      %eq3A_1093 = vector.broadcast %broadcast_in_dim3A_1092 : vector<512x1xf32> to vector<512x384xf32>
      %eq3A_1094 = arith.cmpf oeq, %select_n3A_1074, %eq3A_1093 : vector<512x384xf32>
      %broadcast_in_dim3A_1095 = vector.broadcast %cond3A_992 : f32 to vector<512x384xf32>
      %select_n3A_1096 = arith.select %eq3A_1094, %broadcast_in_dim3A_1095, %select_n3A_1074 : vector<512x384xi1>, vector<512x384xf32>
      %mul3A_1097 = arith.constant 0.001953125 : f32
      %mul3A_1098 = vector.broadcast %mul3A_1097 : f32 to vector<512x1xf32>
      %mul3A_1099 = arith.mulf %broadcast_in_dim3A_1092, %mul3A_1098 : vector<512x1xf32>
      %floor3A_1100 = math.floor %mul3A_1099 : vector<512x1xf32>
      %mul3A_1101 = arith.constant 6.250000e-02 : f32
      %mul3A_1102 = vector.broadcast %mul3A_1101 : f32 to vector<512x1xf32>
      %mul3A_1103 = arith.mulf %floor3A_1100, %mul3A_1102 : vector<512x1xf32>
      %add3A_1104 = arith.constant 3.125000e-02 : f32
      %add3A_1105 = vector.broadcast %add3A_1104 : f32 to vector<512x1xf32>
      %add3A_1106 = arith.addf %mul3A_1103, %add3A_1105 : vector<512x1xf32>
      %sub3A_1107 = arith.subf %add3A_1007, %add3A_1106 : vector<512x1xf32>
      %max3A_1108 = arith.constant 0.000000e+00 : f32
      %max3A_1109 = vector.broadcast %max3A_1108 : f32 to vector<512x1xf32>
      %max3A_1110 = arith.maximumf %sub3A_1107, %max3A_1109 : vector<512x1xf32>
      %add3A_1111 = arith.addf %add3A_1089, %max3A_1110 : vector<512x1xf32>
      %reduce_min3A_1112 = arith.constant dense<0x7F800000> : vector<512xf32>
      %reduce_min3A_1113 = vector.multi_reduction <minimumf>, %select_n3A_1096, %reduce_min3A_1112 [1] : vector<512x384xf32> to vector<512xf32>
      %broadcast_in_dim3A_1114 = vector.shape_cast %reduce_min3A_1113 : vector<512xf32> to vector<512x1xf32>
      %eq3A_1115 = vector.broadcast %broadcast_in_dim3A_1114 : vector<512x1xf32> to vector<512x384xf32>
      %eq3A_1116 = arith.cmpf oeq, %select_n3A_1096, %eq3A_1115 : vector<512x384xf32>
      %broadcast_in_dim3A_1117 = vector.broadcast %cond3A_992 : f32 to vector<512x384xf32>
      %select_n3A_1118 = arith.select %eq3A_1116, %broadcast_in_dim3A_1117, %select_n3A_1096 : vector<512x384xi1>, vector<512x384xf32>
      %mul3A_1119 = arith.constant 0.001953125 : f32
      %mul3A_1120 = vector.broadcast %mul3A_1119 : f32 to vector<512x1xf32>
      %mul3A_1121 = arith.mulf %broadcast_in_dim3A_1114, %mul3A_1120 : vector<512x1xf32>
      %floor3A_1122 = math.floor %mul3A_1121 : vector<512x1xf32>
      %mul3A_1123 = arith.constant 6.250000e-02 : f32
      %mul3A_1124 = vector.broadcast %mul3A_1123 : f32 to vector<512x1xf32>
      %mul3A_1125 = arith.mulf %floor3A_1122, %mul3A_1124 : vector<512x1xf32>
      %add3A_1126 = arith.constant 3.125000e-02 : f32
      %add3A_1127 = vector.broadcast %add3A_1126 : f32 to vector<512x1xf32>
      %add3A_1128 = arith.addf %mul3A_1125, %add3A_1127 : vector<512x1xf32>
      %sub3A_1129 = arith.subf %add3A_1007, %add3A_1128 : vector<512x1xf32>
      %max3A_1130 = arith.constant 0.000000e+00 : f32
      %max3A_1131 = vector.broadcast %max3A_1130 : f32 to vector<512x1xf32>
      %max3A_1132 = arith.maximumf %sub3A_1129, %max3A_1131 : vector<512x1xf32>
      %add3A_1133 = arith.addf %add3A_1111, %max3A_1132 : vector<512x1xf32>
      %reduce_min3A_1134 = arith.constant dense<0x7F800000> : vector<512xf32>
      %reduce_min3A_1135 = vector.multi_reduction <minimumf>, %select_n3A_1118, %reduce_min3A_1134 [1] : vector<512x384xf32> to vector<512xf32>
      %broadcast_in_dim3A_1136 = vector.shape_cast %reduce_min3A_1135 : vector<512xf32> to vector<512x1xf32>
      %eq3A_1137 = vector.broadcast %broadcast_in_dim3A_1136 : vector<512x1xf32> to vector<512x384xf32>
      %eq3A_1138 = arith.cmpf oeq, %select_n3A_1118, %eq3A_1137 : vector<512x384xf32>
      %broadcast_in_dim3A_1139 = vector.broadcast %cond3A_992 : f32 to vector<512x384xf32>
      %select_n3A_1140 = arith.select %eq3A_1138, %broadcast_in_dim3A_1139, %select_n3A_1118 : vector<512x384xi1>, vector<512x384xf32>
      %mul3A_1141 = arith.constant 0.001953125 : f32
      %mul3A_1142 = vector.broadcast %mul3A_1141 : f32 to vector<512x1xf32>
      %mul3A_1143 = arith.mulf %broadcast_in_dim3A_1136, %mul3A_1142 : vector<512x1xf32>
      %floor3A_1144 = math.floor %mul3A_1143 : vector<512x1xf32>
      %mul3A_1145 = arith.constant 6.250000e-02 : f32
      %mul3A_1146 = vector.broadcast %mul3A_1145 : f32 to vector<512x1xf32>
      %mul3A_1147 = arith.mulf %floor3A_1144, %mul3A_1146 : vector<512x1xf32>
      %add3A_1148 = arith.constant 3.125000e-02 : f32
      %add3A_1149 = vector.broadcast %add3A_1148 : f32 to vector<512x1xf32>
      %add3A_1150 = arith.addf %mul3A_1147, %add3A_1149 : vector<512x1xf32>
      %sub3A_1151 = arith.subf %add3A_1007, %add3A_1150 : vector<512x1xf32>
      %max3A_1152 = arith.constant 0.000000e+00 : f32
      %max3A_1153 = vector.broadcast %max3A_1152 : f32 to vector<512x1xf32>
      %max3A_1154 = arith.maximumf %sub3A_1151, %max3A_1153 : vector<512x1xf32>
      %add3A_1155 = arith.addf %add3A_1133, %max3A_1154 : vector<512x1xf32>
      %reduce_min3A_1156 = arith.constant dense<0x7F800000> : vector<512xf32>
      %reduce_min3A_1157 = vector.multi_reduction <minimumf>, %select_n3A_1140, %reduce_min3A_1156 [1] : vector<512x384xf32> to vector<512xf32>
      %broadcast_in_dim3A_1158 = vector.shape_cast %reduce_min3A_1157 : vector<512xf32> to vector<512x1xf32>
      %eq3A_1159 = vector.broadcast %broadcast_in_dim3A_1158 : vector<512x1xf32> to vector<512x384xf32>
      %eq3A_1160 = arith.cmpf oeq, %select_n3A_1140, %eq3A_1159 : vector<512x384xf32>
      %broadcast_in_dim3A_1161 = vector.broadcast %cond3A_992 : f32 to vector<512x384xf32>
      %select_n3A_1162 = arith.select %eq3A_1160, %broadcast_in_dim3A_1161, %select_n3A_1140 : vector<512x384xi1>, vector<512x384xf32>
      %mul3A_1163 = arith.constant 0.001953125 : f32
      %mul3A_1164 = vector.broadcast %mul3A_1163 : f32 to vector<512x1xf32>
      %mul3A_1165 = arith.mulf %broadcast_in_dim3A_1158, %mul3A_1164 : vector<512x1xf32>
      %floor3A_1166 = math.floor %mul3A_1165 : vector<512x1xf32>
      %mul3A_1167 = arith.constant 6.250000e-02 : f32
      %mul3A_1168 = vector.broadcast %mul3A_1167 : f32 to vector<512x1xf32>
      %mul3A_1169 = arith.mulf %floor3A_1166, %mul3A_1168 : vector<512x1xf32>
      %add3A_1170 = arith.constant 3.125000e-02 : f32
      %add3A_1171 = vector.broadcast %add3A_1170 : f32 to vector<512x1xf32>
      %add3A_1172 = arith.addf %mul3A_1169, %add3A_1171 : vector<512x1xf32>
      %sub3A_1173 = arith.subf %add3A_1007, %add3A_1172 : vector<512x1xf32>
      %max3A_1174 = arith.constant 0.000000e+00 : f32
      %max3A_1175 = vector.broadcast %max3A_1174 : f32 to vector<512x1xf32>
      %max3A_1176 = arith.maximumf %sub3A_1173, %max3A_1175 : vector<512x1xf32>
      %add3A_1177 = arith.addf %add3A_1155, %max3A_1176 : vector<512x1xf32>
      %reduce_min3A_1178 = arith.constant dense<0x7F800000> : vector<512xf32>
      %reduce_min3A_1179 = vector.multi_reduction <minimumf>, %select_n3A_1162, %reduce_min3A_1178 [1] : vector<512x384xf32> to vector<512xf32>
      %broadcast_in_dim3A_1180 = vector.shape_cast %reduce_min3A_1179 : vector<512xf32> to vector<512x1xf32>
      %eq3A_1181 = vector.broadcast %broadcast_in_dim3A_1180 : vector<512x1xf32> to vector<512x384xf32>
      %eq3A_1182 = arith.cmpf oeq, %select_n3A_1162, %eq3A_1181 : vector<512x384xf32>
      %broadcast_in_dim3A_1183 = vector.broadcast %cond3A_992 : f32 to vector<512x384xf32>
      %select_n3A_1184 = arith.select %eq3A_1182, %broadcast_in_dim3A_1183, %select_n3A_1162 : vector<512x384xi1>, vector<512x384xf32>
      %mul3A_1185 = arith.constant 0.001953125 : f32
      %mul3A_1186 = vector.broadcast %mul3A_1185 : f32 to vector<512x1xf32>
      %mul3A_1187 = arith.mulf %broadcast_in_dim3A_1180, %mul3A_1186 : vector<512x1xf32>
      %floor3A_1188 = math.floor %mul3A_1187 : vector<512x1xf32>
      %mul3A_1189 = arith.constant 6.250000e-02 : f32
      %mul3A_1190 = vector.broadcast %mul3A_1189 : f32 to vector<512x1xf32>
      %mul3A_1191 = arith.mulf %floor3A_1188, %mul3A_1190 : vector<512x1xf32>
      %add3A_1192 = arith.constant 3.125000e-02 : f32
      %add3A_1193 = vector.broadcast %add3A_1192 : f32 to vector<512x1xf32>
      %add3A_1194 = arith.addf %mul3A_1191, %add3A_1193 : vector<512x1xf32>
      %sub3A_1195 = arith.subf %add3A_1007, %add3A_1194 : vector<512x1xf32>
      %max3A_1196 = arith.constant 0.000000e+00 : f32
      %max3A_1197 = vector.broadcast %max3A_1196 : f32 to vector<512x1xf32>
      %max3A_1198 = arith.maximumf %sub3A_1195, %max3A_1197 : vector<512x1xf32>
      %add3A_1199 = arith.addf %add3A_1177, %max3A_1198 : vector<512x1xf32>
      %reduce_min3A_1200 = arith.constant dense<0x7F800000> : vector<512xf32>
      %reduce_min3A_1201 = vector.multi_reduction <minimumf>, %select_n3A_1184, %reduce_min3A_1200 [1] : vector<512x384xf32> to vector<512xf32>
      %broadcast_in_dim3A_1202 = vector.shape_cast %reduce_min3A_1201 : vector<512xf32> to vector<512x1xf32>
      %eq3A_1203 = vector.broadcast %broadcast_in_dim3A_1202 : vector<512x1xf32> to vector<512x384xf32>
      %eq3A_1204 = arith.cmpf oeq, %select_n3A_1184, %eq3A_1203 : vector<512x384xf32>
      %broadcast_in_dim3A_1205 = vector.broadcast %cond3A_992 : f32 to vector<512x384xf32>
      %select_n3A_1206 = arith.select %eq3A_1204, %broadcast_in_dim3A_1205, %select_n3A_1184 : vector<512x384xi1>, vector<512x384xf32>
      %mul3A_1207 = arith.constant 0.001953125 : f32
      %mul3A_1208 = vector.broadcast %mul3A_1207 : f32 to vector<512x1xf32>
      %mul3A_1209 = arith.mulf %broadcast_in_dim3A_1202, %mul3A_1208 : vector<512x1xf32>
      %floor3A_1210 = math.floor %mul3A_1209 : vector<512x1xf32>
      %mul3A_1211 = arith.constant 6.250000e-02 : f32
      %mul3A_1212 = vector.broadcast %mul3A_1211 : f32 to vector<512x1xf32>
      %mul3A_1213 = arith.mulf %floor3A_1210, %mul3A_1212 : vector<512x1xf32>
      %add3A_1214 = arith.constant 3.125000e-02 : f32
      %add3A_1215 = vector.broadcast %add3A_1214 : f32 to vector<512x1xf32>
      %add3A_1216 = arith.addf %mul3A_1213, %add3A_1215 : vector<512x1xf32>
      %sub3A_1217 = arith.subf %add3A_1007, %add3A_1216 : vector<512x1xf32>
      %max3A_1218 = arith.constant 0.000000e+00 : f32
      %max3A_1219 = vector.broadcast %max3A_1218 : f32 to vector<512x1xf32>
      %max3A_1220 = arith.maximumf %sub3A_1217, %max3A_1219 : vector<512x1xf32>
      %add3A_1221 = arith.addf %add3A_1199, %max3A_1220 : vector<512x1xf32>
      %reduce_min3A_1222 = arith.constant dense<0x7F800000> : vector<512xf32>
      %reduce_min3A_1223 = vector.multi_reduction <minimumf>, %select_n3A_1206, %reduce_min3A_1222 [1] : vector<512x384xf32> to vector<512xf32>
      %broadcast_in_dim3A_1224 = vector.shape_cast %reduce_min3A_1223 : vector<512xf32> to vector<512x1xf32>
      %mul3A_1225 = arith.constant 0.001953125 : f32
      %mul3A_1226 = vector.broadcast %mul3A_1225 : f32 to vector<512x1xf32>
      %mul3A_1227 = arith.mulf %broadcast_in_dim3A_1224, %mul3A_1226 : vector<512x1xf32>
      %floor3A_1228 = math.floor %mul3A_1227 : vector<512x1xf32>
      %mul3A_1229 = arith.constant 6.250000e-02 : f32
      %mul3A_1230 = vector.broadcast %mul3A_1229 : f32 to vector<512x1xf32>
      %mul3A_1231 = arith.mulf %floor3A_1228, %mul3A_1230 : vector<512x1xf32>
      %add3A_1232 = arith.constant 3.125000e-02 : f32
      %add3A_1233 = vector.broadcast %add3A_1232 : f32 to vector<512x1xf32>
      %add3A_1234 = arith.addf %mul3A_1231, %add3A_1233 : vector<512x1xf32>
      %sub3A_1235 = arith.subf %add3A_1007, %add3A_1234 : vector<512x1xf32>
      %max3A_1236 = arith.constant 0.000000e+00 : f32
      %max3A_1237 = vector.broadcast %max3A_1236 : f32 to vector<512x1xf32>
      %max3A_1238 = arith.maximumf %sub3A_1235, %max3A_1237 : vector<512x1xf32>
      %add3A_1239 = arith.addf %add3A_1221, %max3A_1238 : vector<512x1xf32>
      %reduce_sum3A_1240 = vector.shape_cast %add3A_1239 : vector<512x1xf32> to vector<1x512x1xf32>
      %reduce_sum3A_1241 = arith.constant dense<0.000000e+00> : vector<1xf32>
      %reduce_sum3A_1242 = vector.multi_reduction <add>, %reduce_sum3A_1240, %reduce_sum3A_1241 [1, 2] : vector<1x512x1xf32> to vector<1xf32>
      %reduce_sum3A_1243 = vector.shape_cast %reduce_sum3A_1242 : vector<1xf32> to vector<1x1x1xf32>
      %reduce_sum3A_1244 = vector.extract %reduce_sum3A_1243[0, 0, 0] : f32 from vector<1x1x1xf32>
      %broadcast_in_dim3A_1245 = vector.broadcast %reduce_sum3A_1244 : f32 to vector<1x1xf32>
      %broadcast_in_dim3A_1246 = arith.constant 0.000000e+00 : f32
      %broadcast_in_dim3A_1247 = vector.broadcast %broadcast_in_dim3A_1246 : f32 to vector<8x128xf32>
      %iota3A_1248 = tpu.iota {dimensions = array<i32: 0>} : vector<8x128xi32>
      %iota3A_1249 = tpu.iota {dimensions = array<i32: 1>} : vector<8x128xi32>
      %eq3A_1250 = arith.constant 0 : i32
      %eq3A_1251 = vector.broadcast %eq3A_1250 : i32 to vector<8x128xi32>
      %eq3A_1252 = arith.cmpi eq, %iota3A_1248, %eq3A_1251 : vector<8x128xi32>
      %eq3A_1253 = arith.constant 0 : i32
      %eq3A_1254 = vector.broadcast %eq3A_1253 : i32 to vector<8x128xi32>
      %eq3A_1255 = arith.cmpi eq, %iota3A_1249, %eq3A_1254 : vector<8x128xi32>
      %and3A_1256 = arith.andi %eq3A_1252, %eq3A_1255 : vector<8x128xi1>
      %broadcast_in_dim3A_1257 = vector.shape_cast %broadcast_in_dim3A_1245 : vector<1x1xf32> to vector<1x1xf32>
      %broadcast_in_dim3A_1258 = vector.broadcast %broadcast_in_dim3A_1257 : vector<1x1xf32> to vector<8x128xf32>
      %select_n3A_1259 = arith.select %and3A_1256, %broadcast_in_dim3A_1258, %broadcast_in_dim3A_1247 : vector<8x128xi1>, vector<8x128xf32>
      %swap3A_1260 = arith.constant 0 : index
      %swap3A_1261 = arith.constant 0 : index
      %swap3A_1262 = vector.load %arg6[%swap3A_1260, %swap3A_1261] : memref<8x128xf32, #tpu.memory_space<vmem>>, vector<8x128xf32>
      tpu.vector_store %arg6[%swap3A_1260, %swap3A_1261], %select_n3A_1259 {strides = array<i32>} : memref<8x128xf32, #tpu.memory_space<vmem>>, vector<8x128xf32>,
    } else {
    }
    return
  }
  func.func @transform_0(%arg0: i32, %arg1: i32) -> (i32, i32) {
    %c0_i32 = arith.constant 0 : i32
    %c0_i32_0 = arith.constant 0 : i32
    return %arg0, %c0_i32 : i32, i32
  }
  func.func @transform_1(%arg0: i32, %arg1: i32) -> (i32, i32, i32) {
    %jit3A = arith.constant 2 : i32
    %div3A = arith.divsi %arg0, %jit3A : i32
    %sign3A = arith.constant 0 : i32
    %sign3A_0 = arith.cmpi sgt, %arg0, %sign3A : i32
    %sign3A_1 = arith.extui %sign3A_0 : i1 to i32
    %sign3A_2 = arith.constant 0 : i32
    %sign3A_3 = arith.cmpi slt, %arg0, %sign3A_2 : i32
    %sign3A_4 = arith.extui %sign3A_3 : i1 to i32
    %sign3A_5 = arith.subi %sign3A_1, %sign3A_4 : i32
    %sign3A_6 = arith.constant 0 : i32
    %sign3A_7 = arith.cmpi sgt, %jit3A, %sign3A_6 : i32
    %sign3A_8 = arith.extui %sign3A_7 : i1 to i32
    %sign3A_9 = arith.constant 0 : i32
    %sign3A_10 = arith.cmpi slt, %jit3A, %sign3A_9 : i32
    %sign3A_11 = arith.extui %sign3A_10 : i1 to i32
    %sign3A_12 = arith.subi %sign3A_8, %sign3A_11 : i32
    %ne3A = arith.cmpi ne, %sign3A_5, %sign3A_12 : i32
    %rem3A = arith.remsi %arg0, %jit3A : i32
    %ne3A_13 = arith.constant 0 : i32
    %ne3A_14 = arith.cmpi ne, %rem3A, %ne3A_13 : i32
    %and3A = arith.andi %ne3A, %ne3A_14 : i1
    %sub3A = arith.constant 1 : i32
    %sub3A_15 = arith.subi %div3A, %sub3A : i32
    %select_n3A = arith.select %and3A, %sub3A_15, %div3A : i32
    %c0_i32 = arith.constant 0 : i32
    %c0_i32_16 = arith.constant 0 : i32
    return %select_n3A, %c0_i32, %arg1 : i32, i32, i32
  }
  func.func @transform_2(%arg0: i32, %arg1: i32) -> (i32, i32) {
    %jit3A = arith.constant 2 : i32
    %eq3A = arith.constant 0 : i32
    %eq3A_0 = arith.cmpi eq, %jit3A, %eq3A : i32
    %jit3A_1 = arith.constant 1 : i32
    %select_n3A = arith.select %eq3A_0, %jit3A_1, %jit3A : i32
    %rem3A = arith.remsi %arg0, %select_n3A : i32
    %ne3A = arith.constant 0 : i32
    %ne3A_2 = arith.cmpi ne, %rem3A, %ne3A : i32
    %lt3A = arith.constant 0 : i32
    %lt3A_3 = arith.cmpi slt, %rem3A, %lt3A : i32
    %lt3A_4 = arith.constant 0 : i32
    %lt3A_5 = arith.cmpi slt, %select_n3A, %lt3A_4 : i32
    %ne3A_6 = arith.xori %lt3A_3, %lt3A_5 : i1
    %and3A = arith.andi %ne3A_6, %ne3A_2 : i1
    %add3A = arith.addi %rem3A, %select_n3A : i32
    %select_n3A_7 = arith.select %and3A, %add3A, %rem3A : i32
    %c0_i32 = arith.constant 0 : i32
    %c0_i32_8 = arith.constant 0 : i32
    return %select_n3A_7, %c0_i32 : i32, i32
  }
  func.func @transform_3(%arg0: i32, %arg1: i32) -> (i32, i32) {
    %jit3A = arith.constant 2 : i32
    %eq3A = arith.constant 0 : i32
    %eq3A_0 = arith.cmpi eq, %jit3A, %eq3A : i32
    %jit3A_1 = arith.constant 1 : i32
    %select_n3A = arith.select %eq3A_0, %jit3A_1, %jit3A : i32
    %rem3A = arith.remsi %arg0, %select_n3A : i32
    %ne3A = arith.constant 0 : i32
    %ne3A_2 = arith.cmpi ne, %rem3A, %ne3A : i32
    %lt3A = arith.constant 0 : i32
    %lt3A_3 = arith.cmpi slt, %rem3A, %lt3A : i32
    %lt3A_4 = arith.constant 0 : i32
    %lt3A_5 = arith.cmpi slt, %select_n3A, %lt3A_4 : i32
    %ne3A_6 = arith.xori %lt3A_3, %lt3A_5 : i1
    %and3A = arith.andi %ne3A_6, %ne3A_2 : i1
    %add3A = arith.addi %rem3A, %select_n3A : i32
    %select_n3A_7 = arith.select %and3A, %add3A, %rem3A : i32
    %c0_i32 = arith.constant 0 : i32
    %c0_i32_8 = arith.constant 0 : i32
    return %select_n3A_7, %c0_i32 : i32, i32
  }
  func.func @transform_4(%arg0: i32, %arg1: i32) -> (i32, i32) {
    %c0_i32 = arith.constant 0 : i32
    %c0_i32_0 = arith.constant 0 : i32
    return %arg0, %c0_i32 : i32, i32
  }
}

</mosaic_0001>

<sc_bundles>
// kernel: kernel.4.cloned.1.call-start
scs
__scs_entry_jumppad:
0x0: {  	(pc) =	sbr.rel $0x88, $3  }
0x1: {  	(tag) =	ssettag $0x0;
	lr =	simm.s32 $0x1  }
0x2: {  	[smem:$0x3F9D] =	sst lr;
	_ =	strace $0xD0000000  }
0x3: {  	_ = 	snop  }
0x4: {  	_ = 	snop  }
0x5: {  	_ = 	snop  }
0x6: {  	_ = 	snop  }
0x7: {  	_ = 	snop  }
__scs_overlays_trampoline_lowered:
0x8: {  	[smem:$0x3FAC] =	sst s0  }
0x9: {  	[smem:$0x3FAD] =	sst s1  }
0xa: {  	[smem:$0x3FAE] =	sst s2  }
0xb: {  	[smem:$0x3FAF] =	sst s3  }
0xc: {  	[smem:$0x3FB0] =	sst s4  }
0xd: {  	[smem:$0x3FB1] =	sst s5  }
0xe: {  	[smem:$0x3FB2] =	sst s6  }
0xf: {  	[smem:$0x3FB3] =	sst s7  }
0x10: {  	[smem:$0x3FB4] =	sst s8  }
0x11: {  	[smem:$0x3FB5] =	sst s9;
	s0 =	simm.s32 @!p0 $0x0  }
0x12: {  	s1 =	sld [smem:$0x3F9B];
	s0 =	simm.s32 @p0 $0x1  }
0x13: {  	[smem:$0x3FB6] =	sst s0;
	s0 =	simm.s32 @!p1 $0x0  }
0x14: {  	s2 =	sld [smem:$0x3F9A];
	s0 =	simm.s32 @p1 $0x1  }
0x15: {  	[smem:$0x3FB7] =	sst s0;
	s0 =	simm.s32 @!p2 $0x0  }
0x16: {  	s3 =	sld [smem:$0x3FDB];
	s0 =	simm.s32 @p2 $0x1  }
0x17: {  	s4 =	simm.s32 $0x1BF5;
	[smem:$0x3FB9] =	sst s0  }
0x18: {  	s0 =	sld [smem:$0x3F9C];
	_ =	swait.ge [sflag:s4], $0x0  }
0x19: {  	s7 =	sld [smem:$0x3F9D]  }
0x1a: {  	s8 =	sadd.s32 $0xFFFFE003, lr  }
0x1b: {  	s9 =	sadd.s32 $0xFFFFFEF7, lr;
	s5 =	simm.s32 $0xFFFFFFFF;
	p2 =	slt.u32 s8, $0xFFFFF086  }
0x1c: {  	p1 =	slt.u32 s9, $0xF7A;
	s5 =	simm.s32 @!p2 $0x0  }
0x1d: {  	s5 =	simm.s32 @p1 $0x1;
	p0 =	seq.s32 s7, s2  }
0x1e: {  	s7 =	smul.u32 @!p0 $0xF7A, s2;
	p2 =	seq.s32 @!p0 s5, $0x0  }
0x1f: {  	s9 =	smul.u32 $0xF7A, s1;
	s8 =	simm.s32 @!p0 $0x1BF5;
	p2 =	por !p2, p0  }
0x20: {  	[sflag:s8] =	ssyncset.s32 @!p0 $0xFFFFF086;
	s6 =	sadd.s32 @!p0 s3, s7;
	s7 =	simm.s32 @!p0 $0x108  }
0x21: {  	s3 =	sadd.s32 s3, s9;
	s6 =	sadd.s32 @!p0 $0x88, s6;
	s7 =	simm.s32 @p2 $0x1082  }
0x22: {  	[simem:s7], [sflag:s8] =	dma.local @!p0 [hbm:s6], $0xF7A  }
0x23: {  	s9 =	sor.u32 $0xD0000000, s2;
	s6 =	simm.s32 $0x108;
	_ =	swait.ge @!p0 [sflag:s8], $0x0  }
0x24: {  	s3 =	sadd.s32 $0x88, s3;
	s6 =	simm.s32 @!p1 $0x1082;
	[sflag:s4] =	ssyncset.s32 $0xFFFFF086  }
0x25: {  	[simem:s6], [sflag:s4] =	dma.local [hbm:s3], $0xF7A  }
0x26: {  	[smem:$0x3F9D] =	sst s1;
	(tag) =	ssettag s2;
	_ =	strace s9  }
0x27: {  	s1 =	sld [smem:$0x3FAD]  }
0x28: {  	s2 =	sld [smem:$0x3FAE]  }
0x29: {  	s4 =	sld [smem:$0x3FB0]  }
0x2a: {  	p0 =	seq.s32 s5, $0x0;
	s5 =	sld [smem:$0x3FB1]  }
0x2b: {  	s6 =	sld [smem:$0x3FB2]  }
0x2c: {  	s7 =	sld [smem:$0x3FB3]  }
0x2d: {  	s3 =	simm.s32 $0x108;
	s8 =	sld [smem:$0x3FB4]  }
0x2e: {  	s3 =	simm.s32 @!p0 $0x1082;
	s9 =	sld [smem:$0x3FB5]  }
0x2f: {  	lr =	sadd.s32 s0, s3;
	s0 =	sld [smem:$0x3FAC]  }
0x30: {  	s3 =	sld [smem:$0x3FAF]  }
0x31: {  	[smem:$0x3FB8] =	sst s10  }
0x32: {  	s10 =	sld [smem:$0x3FB6];
	_ =	sdelay $0x3  }
0x33: {  	p0 =	seq.s32 s10, $0x1;
	s10 =	sld [smem:$0x3FB8];
	_ =	sdelay $0x3  }
0x34: {  	[smem:$0x3FB8] =	sst s10  }
0x35: {  	s10 =	sld [smem:$0x3FB7];
	_ =	sdelay $0x3  }
0x36: {  	p1 =	seq.s32 s10, $0x1;
	s10 =	sld [smem:$0x3FB8];
	_ =	sdelay $0x3  }
0x37: {  	[smem:$0x3FB8] =	sst s10  }
0x38: {  	s10 =	sld [smem:$0x3FB9]  }
0x39: {  	_ = 	snop;
	(pc) =	sbr.ind lr, $3  }
0x3a: {  	_ = 	snop  }
0x3b: {  	_ = 	snop  }
0x3c: {  	p2 =	seq.s32 s10, $0x1;
	s10 =	sld [smem:$0x3FB8]  }
0x3d: {  	_ =	shalt  }
0x3e: {  	_ =	shalt  }
0x3f: {  	_ =	shalt  }
0x40: {  	_ =	shalt  }
0x41: {  	_ =	shalt  }
0x42: {  	_ =	shalt  }
0x43: {  	_ =	shalt  }
0x44: {  	_ =	shalt  }
0x45: {  	_ =	shalt  }
0x46: {  	_ =	shalt  }
0x47: {  	_ =	shalt  }
0x48: {  	_ =	shalt  }
0x49: {  	_ =	shalt  }
0x4a: {  	_ =	shalt  }
0x4b: {  	_ =	shalt  }
0x4c: {  	_ =	shalt  }
0x4d: {  	_ =	shalt  }
0x4e: {  	_ =	shalt  }
0x4f: {  	_ =	shalt  }
0x50: {  	_ =	shalt  }
0x51: {  	_ =	shalt  }
0x52: {  	_ =	shalt  }
0x53: {  	_ =	shalt  }
0x54: {  	_ =	shalt  }
0x55: {  	_ =	shalt  }
0x56: {  	_ =	shalt  }
0x57: {  	_ =	shalt  }
0x58: {  	_ =	shalt  }
0x59: {  	_ =	shalt  }
0x5a: {  	_ =	shalt  }
0x5b: {  	_ =	shalt  }
0x5c: {  	_ =	shalt  }
0x5d: {  	_ =	shalt  }
0x5e: {  	_ =	shalt  }
0x5f: {  	_ =	shalt  }
0x60: {  	_ =	shalt  }
0x61: {  	_ =	shalt  }
0x62: {  	_ =	shalt  }
0x63: {  	_ =	shalt  }
0x64: {  	_ =	shalt  }
0x65: {  	_ =	shalt  }
0x66: {  	_ =	shalt  }
0x67: {  	_ =	shalt  }
0x68: {  	_ =	shalt  }
0x69: {  	_ =	shalt  }
0x6a: {  	_ =	shalt  }
0x6b: {  	_ =	shalt  }
0x6c: {  	_ =	shalt  }
0x6d: {  	_ =	shalt  }
0x6e: {  	_ =	shalt  }
0x6f: {  	_ =	shalt  }
0x70: {  	_ =	shalt  }
0x71: {  	_ =	shalt  }
0x72: {  	_ =	shalt  }
0x73: {  	_ =	shalt  }
0x74: {  	_ =	shalt  }
0x75: {  	_ =	shalt  }
0x76: {  	_ =	shalt  }
0x77: {  	_ =	shalt  }
0x78: {  	_ =	shalt  }
0x79: {  	_ =	shalt  }
0x7a: {  	_ =	shalt  }
0x7b: {  	_ =	shalt  }
0x7c: {  	_ =	shalt  }
0x7d: {  	_ =	shalt  }
0x7e: {  	_ =	shalt  }
0x7f: {  	_ =	shalt  }
0x80: {  	_ =	shalt  }
0x81: {  	_ =	shalt  }
0x82: {  	_ =	shalt  }
0x83: {  	_ =	shalt  }
0x84: {  	_ =	shalt  }
0x85: {  	_ =	shalt  }
0x86: {  	_ =	shalt  }
0x87: {  	_ =	shalt  }
.Lfunc_end0:
.L_simem_size_0:
called_computation_lowered:
.L_overlay_start_0:
0x88: {  	s2 =	sld [smem:$0x3FD9]  }
0x89: {  	s3 =	sld [smem:$0x3FFE];
	_ =	sdelay $0x1  }
0x8a: {  	s1 =	srdreg.scid  }
0x8b: {  	s0 =	sand.u32 $0x1, s1  }
0x8c: {  	s17 =	sshll.u32 s0, $0xA;
	s2 =	sadd.s32 s3, s2  }
0x8d: {  	s2 =	sadd.s32 s2, s17  }
0x8e: {  	[smem:$0x3FC4] =	sst s2  }
0x8f: {  	_ = 	snop  }
0x90: {  	s2 =	sld [smem:$0x3FC9]  }
0x91: {  	s18 =	sld [smem:$0x3FC8]  }
0x92: {  	s4 =	sld [smem:$0x3FC7]  }
0x93: {  	s5 =	sld [smem:$0x3FC6];
	(tm) =	ssettm $0x1  }
0x94: {  	s6 =	sld [smem:$0x3FFB];
	_ =	sdelay $0x3  }
0x95: {  	_ =	strace s6  }
0x96: {  	s6 =	sld [smem:$0x3FFC];
	_ =	sdelay $0x3  }
0x97: {  	_ =	strace s6  }
0x98: {  	s6 =	sld [smem:$0x3FFD];
	_ =	sdelay $0x3  }
0x99: {  	_ =	strace s6  }
0x9a: {  	_ =	strace $0x8FFFFFFF  }
0x9b: {  	s19 =	sld [smem:$0x3FDB];
	_ =	sdelay $0x1  }
0x9c: {  	s7 =	simm.s32 $_scs_section_size  }
0x9d: {  	s8 =	simm.s32 $_size__tile_overlayer_lowered;
	s9 =	simm.s32 $_tile_overlayer_lowered  }
0x9e: {  	s22 =	simm.s32 $0x1BFF;
	s21 =	sshll.u32 s9, $0x1;
	s6 =	sadd.s32 s7, s19  }
0x9f: {  	s10 =	simm.s32 $0x0;
	s20 =	sshll.u32 s8, $0x1;
	s8 =	sadd.s32 s21, s6  }
0xa0: {  	[timem:s10], [sflag:s22] =	dma.local [hbm:s8], s20  }
0xa1: {  	_ =	swait.ge [sflag:s22], s20  }
0xa2: {  	s7 =	ssub.s32 $0x0, s20;
	[sflag:s22] =	ssyncset.done $0x0  }
0xa3: {  	[sflag:s22] =	ssyncadd.s32 s7;
	_ =	sdelay $0x1  }
0xa4: {  	s23 =	simm.s32 $0x1B8B  }
0xa5: {  	_ =	swait.ge [sflag:s23], $0x1  }
0xa6: {  	[sflag:s23] =	ssyncset.done $0x0  }
0xa7: {  	s25 =	simm.s32 $0x1B8E;
	s24 =	sld [smem:$0x3FFE];
	[sflag:s23] =	ssyncadd.s32 $0xFFFFFFFF  }
0xa8: {  	s26 =	simm.s32 $execute0_lowered;
	[smem:$0x3FD2] =	sst s25  }
0xa9: {  	s8 =	sshll.u32 s26, $0x1;
	_ =	strace $0x80000046;
	[dreg:$0x1] =	wrdreg $0xFFFFFFFF  }
0xaa: {  	s28 =	simm.s32 $_size_execute0_lowered;
	s6 =	sadd.s32 s6, s8;
	[dreg:$0x0] =	wrdreg $0x0  }
0xab: {  	s8 =	sshll.u32 s28, $0x1;
	[dreg:$0x2] =	wrdreg s6  }
0xac: {  	[dreg:$0x3] =	wrdreg s8  }
0xad: {  	[dreg:$0x4] =	wrdreg $0xC0  }
0xae: {  	_ =	task [dreg:s10], $0x5FFFF  }
0xaf: {  	[dreg:$0x1] =	wrdreg $0xFFFFFFFF  }
0xb0: {  	[dreg:$0x0] =	wrdreg $0x60  }
0xb1: {  	[dreg:$0x2] =	wrdreg s2  }
0xb2: {  	[dreg:$0x3] =	wrdreg s18  }
0xb3: {  	[dreg:$0x4] =	wrdreg s4  }
0xb4: {  	[dreg:$0x5] =	wrdreg s5  }
0xb5: {  	[dreg:$0x6] =	wrdreg s24  }
0xb6: {  	[dreg:$0x7] =	wrdreg $0x9  }
0xb7: {  	_ =	task.clear_ibuf [dreg:s10], $0x8FFFF;
	_ =	strace $0x90000046  }
0xb8: {  	s29 =	simm.s32 $0x9;
	_ =	strace $0x80000048  }
0xb9: {  	_ =	swait.ge [sflag:s29], $0x1  }
0xba: {  	[sflag:s29] =	ssyncadd.s32 $0xFFFFFFFF  }
0xbb: {  	_ =	strace $0x90000048  }
0xbc: {  	_ =	sfence  }
0xbd: {  	s30 =	sld [smem:$0x0];
	_ =	sdelay $0x2  }
0xbe: {  	s31 =	sshll.u32 s1, $0xD;
	s1 =	sshrl.u32 s1, $0x2  }
0xbf: {  	s3 =	sand.u32 $0x4000, s31;
	s1 =	sadd.s32 s1, s30  }
0xc0: {  	s0 =	sor.u32 s3, s0;
	s1 =	sshll.u32 s1, $0x11  }
0xc1: {  	s0 =	sor.u32 s1, s0  }
0xc2: {  	s0 =	sadd.s32 $0x8F2B, s0  }
0xc3: {  	[sflag:s0] =	ssyncadd.remote.s32 $0x1  }
0xc4: {  	_ =	sfence.sel $0xFFFF  }
0xc5: {  	[dreg:$0x0] =	wrdreg $0xFFFFFFFF;
	(pc) =	sbr.abs _section_cstart, $3  }
0xc6: {  	[dreg:$0x1] =	wrdreg $0xFFFFFFFF  }
0xc7: {  	_ =	task.clear_ibuf [dreg:s10], $0x2FFFF;
	_ =	strace $0x9FFFFFFF  }
0xc8: {  	(tm) =	ssettm $0x7FFFFFFF  }
0xc9: {  	_ =	shalt  }
tec
execute0_lowered:
.L_overlay_start_1:
0x0: {  	(tag) =	ssettag $0x1  }
0x1: {  	s1 =	rddreg [dreg:$0x0]  }
0x2: {  	s2 =	rddreg [dreg:$0x1]  }
0x3: {  	s5 =	rddreg [dreg:$0x2];
	s3 =	srdreg.scid  }
0x4: {  	s11 =	rddreg [dreg:$0x3];
	s0 =	stileid.u32;
	s12 =	sand.u32 $0x1, s3  }
0x5: {  	s10 =	rddreg [dreg:$0x4];
	s6 =	sshll.u32 s0, $0x6;
	s7 =	sshll.u32 s12, $0x5  }
0x6: {  	s4 =	simm.s32 $0x0;
	s3 =	rddreg [dreg:$0x5];
	s13 =	sor.u32 s7, s6  }
0x7: {  	[smem:$0x7FF] =	sst s4;
	s14 =	sshrl.u32 s13, $0x3  }
0x8: {  	_ =	strace $0x80000047;
	s6 =	sadd.s32 s5, s14;
	s5 =	simm.s32 $0x2  }
0x9: {  	[tilespmem:s4], [sflag:$0x2] =	stream.linear.gather [hbm4b:s6+s4], $0x20, $0x38;
	[tilespmem:$0x1080] =	vst v63  }
0xa: {  	_ =	swait.ge [sflag:s5], $0x20  }
0xb: {  	s8 =	simm.s32 $0x80;
	[sflag:s5] =	ssyncset.done $0x0  }
0xc: {  	s9 =	simm.s32 $0x1;
	s7 =	simm.s32 $0x20;
	[sflag:s5] =	ssyncadd.s32 $0xFFFFFFE0  }
0xd: {  	[tilespmem:s8], [sflag:$0x1] =	stream.indirect.gather [hbm4b:s1+s7], $0x80, s4, s7, $0xb8;
	[tilespmem:$0x1080] =	vst v63  }
0xe: {  	s13 =	sshll.u32 s13, $0x4;
	_ =	swait.ge [sflag:s9], $0x1000  }
0xf: {  	s13 =	sadd.s32 s13, s10;
	[sflag:s9] =	ssyncset.done $0x0  }
0x10: {  	s10 =	sadd.s32 $0xE00, s13;
	[sflag:s9] =	ssyncadd.s32 $0xFFFFF000  }
0x11: {  	[hbm4b:s10+s4] =	stream.linear.scatter [tilespmem:s8], [sflag:$0x2], $0x1000, $0x38;
	[tilespmem:$0x1080] =	vst v63  }
0x12: {  	_ =	swait.ge [sflag:s5], $0x1000  }
0x13: {  	[sflag:s5] =	ssyncset.done $0x0  }
0x14: {  	s12 =	ssub.s32 $0x2, s12;
	s11 =	sadd.s32 s11, s14;
	[sflag:s5] =	ssyncadd.s32 $0xFFFFF000  }
0x15: {  	[tilespmem:s4], [sflag:$0x2] =	stream.linear.gather [hbm4b:s11+s4], $0x20, $0x38;
	[tilespmem:$0x1080] =	vst v63  }
0x16: {  	s30 =	sshrl.u32 s12, $0x1;
	_ =	swait.ge [sflag:s5], $0x20  }
0x17: {  	s14 =	ssub.s32 s12, s30;
	[sflag:s5] =	ssyncset.done $0x0  }
0x18: {  	s31 =	smax.u32 s14, $0x1;
	[sflag:s5] =	ssyncadd.s32 $0xFFFFFFE0  }
0x19: {  	[tilespmem:s8], [sflag:$0x1] =	stream.indirect.gather [hbm4b:s2+s7], $0x80, s4, s7, $0xb8;
	[tilespmem:$0x1080] =	vst v63  }
0x1a: {  	p0 =	sne.s32 s31, $0x1;
	_ =	swait.ge [sflag:s9], $0x1000  }
.Ltmp0:
0x1b: {  	[sflag:s9] =	ssyncset.done $0x0;
	(pc) =	sbr.rel @!p0 .LBB2_2-.Ltmp0, $4  }
0x1c: {  	s12 =	sadd.s32 $0x4E00, s13;
	[sflag:s9] =	ssyncadd.s32 $0xFFFFF000  }
0x1d: {  	[hbm4b:s12+s4] =	stream.linear.scatter [tilespmem:s8], [sflag:$0x2], $0x1000, $0x38;
	[tilespmem:$0x1080] =	vst v63  }
0x1e: {  	_ =	swait.ge [sflag:s5], $0x1000  }
0x1f: {  	s13 =	sadd.s32 $0xFFFFFFFF, s31;
	[sflag:s5] =	ssyncset.done $0x0  }
.LBB2_1:
0x20: {  	p0 =	sne.s32 s13, $0x1;
	s13 =	sadd.s32 $0xFFFFFFFF, s13;
	[sflag:s5] =	ssyncadd.s32 $0xFFFFF000  }
0x21: {  	[tilespmem:s4], [sflag:$0x2] =	stream.linear.gather [hbm4b:s6+s4], $0x20, $0x38;
	[tilespmem:$0x1080] =	vst v63  }
0x22: {  	_ =	swait.ge [sflag:s5], $0x20  }
0x23: {  	[sflag:s5] =	ssyncset.done $0x0  }
0x24: {  	[sflag:s5] =	ssyncadd.s32 $0xFFFFFFE0  }
0x25: {  	[tilespmem:s8], [sflag:$0x1] =	stream.indirect.gather [hbm4b:s1+s7], $0x80, s4, s7, $0xb8;
	[tilespmem:$0x1080] =	vst v63  }
0x26: {  	_ =	swait.ge [sflag:s9], $0x1000  }
0x27: {  	[sflag:s9] =	ssyncset.done $0x0  }
0x28: {  	[sflag:s9] =	ssyncadd.s32 $0xFFFFF000  }
0x29: {  	[hbm4b:s10+s4] =	stream.linear.scatter [tilespmem:s8], [sflag:$0x2], $0x1000, $0x38;
	[tilespmem:$0x1080] =	vst v63  }
0x2a: {  	_ =	swait.ge [sflag:s5], $0x1000  }
0x2b: {  	[sflag:s5] =	ssyncset.done $0x0  }
0x2c: {  	[sflag:s5] =	ssyncadd.s32 $0xFFFFF000  }
0x2d: {  	[tilespmem:s4], [sflag:$0x2] =	stream.linear.gather [hbm4b:s11+s4], $0x20, $0x38;
	[tilespmem:$0x1080] =	vst v63  }
0x2e: {  	_ =	swait.ge [sflag:s5], $0x20  }
0x2f: {  	[sflag:s5] =	ssyncset.done $0x0  }
0x30: {  	[sflag:s5] =	ssyncadd.s32 $0xFFFFFFE0  }
0x31: {  	[tilespmem:s8], [sflag:$0x1] =	stream.indirect.gather [hbm4b:s2+s7], $0x80, s4, s7, $0xb8;
	[tilespmem:$0x1080] =	vst v63  }
0x32: {  	_ =	swait.ge [sflag:s9], $0x1000  }
.Ltmp1:
0x33: {  	[sflag:s9] =	ssyncset.done $0x0;
	(pc) =	sbr.rel @p0 .LBB2_1-.Ltmp1, $4  }
0x34: {  	[sflag:s9] =	ssyncadd.s32 $0xFFFFF000  }
0x35: {  	[hbm4b:s12+s4] =	stream.linear.scatter [tilespmem:s8], [sflag:$0x2], $0x1000, $0x38;
	[tilespmem:$0x1080] =	vst v63  }
0x36: {  	_ =	swait.ge [sflag:s5], $0x1000  }
0x37: {  	[sflag:s5] =	ssyncset.done $0x0  }
.LBB2_2:
0x38: {  	[sflag:s5] =	ssyncadd.s32 $0xFFFFF000  }
0x39: {  	_ =	sfence.sel $0x180000  }
0x3a: {  	[bflag:$0x0] =	sbarrier.arrive $0xFFFF  }
0x3b: {  	p0 =	sne.s32 s0, $0x0;
	_ =	strace $0x90000047  }
0x3c: {  	s0 =	sadd.s32 @!p0 $0x100000, s3;
	[bflag:$0x2] =	sbarrier.arrive $0xFFFF  }
0x3d: {  	[sflag:s0] =	ssyncadd.tile.s32 @!p0 $0x1;
	_ =	shalt  }
.Lfunc_end2:
_tile_overlayer_lowered:
.L_overlay_start_2:
0x3e: {  	(tag) =	ssettag $0x2  }
0x3f: {  	s0 =	rddreg [dreg:$0x0];
	s2 =	stileid.u32  }
0x40: {  	s1 =	rddreg [dreg:$0x1];
	p0 =	sne.s32 s2, $0x0  }
0x41: {  	s3 =	rddreg [dreg:$0x2];
	[bflag:$0x3] =	sbarrier.arrive $0xFFFF;
	s2 =	simm.s32 @!p0 $0x1C02  }
0x42: {  	[timem:s3], [sflag:s2] =	dma.local @!p0 [hbm:s0], s1  }
0x43: {  	s0 =	simm.s32 @!p0 $0x2  }
0x44: {  	_ =	swait.ge @!p0 [sflag:s0], s1  }
0x45: {  	s1 =	ssub.s32 @!p0 $0x0, s1;
	[sflag:s0] =	ssyncset.done @!p0 $0x0  }
0x46: {  	[sflag:s0] =	ssyncadd.s32 @!p0 s1  }
0x47: {  	[bflag:$0x3] =	sbarrier.arrive $0xFFFF  }
0x48: {  	_ =	shalt  }

</sc_bundles>
